<compile_context>
chip_gen: v7x
topology: tpu7x:2x2x1
jax: 0.10.2.dev20260603
libtpu: 0.0.44.dev20260713+nightly
codegen_flags: <defaults>
</compile_context>

<pallas_src>
import functools

import jax
import jax.numpy as jnp
from jax import lax
from jax.experimental import pallas as pl
from jax.experimental.pallas import tpu as pltpu
from jax.experimental.pallas import tpu_sc as plsc

NUM_BUCKETS = 32
L = 16
NW = 32
ROW = 4096
R = 4
UNROLL = 8


def _sc_lookup(d0: int, d1: int):
    rows_total = d0 * d1
    rows_per_w = rows_total // NW
    n_chunks = rows_per_w // R
    mesh = plsc.VectorSubcoreMesh(core_axis_name="c", subcore_axis_name="s")

    @functools.partial(
        pl.kernel,
        out_type=jax.ShapeDtypeStruct((d0, d1, ROW), jnp.float32),
        mesh=mesh,
        compiler_params=pltpu.CompilerParams(needs_layout_passes=False),
        scratch_types=[
            pltpu.VMEM((NUM_BUCKETS,), jnp.float32),
            pltpu.VMEM((R, ROW), jnp.int32),
            pltpu.VMEM((R, ROW), jnp.int32),
            pltpu.VMEM((R, ROW), jnp.float32),
            pltpu.VMEM((R, ROW), jnp.float32),
            pltpu.SemaphoreType.DMA,
            pltpu.SemaphoreType.DMA,
            pltpu.SemaphoreType.DMA,
            pltpu.SemaphoreType.DMA,
        ],
    )
    def body(idx_hbm, phi_hbm, out_hbm, table_v, idx0, idx1, out0, out1,
             si0, si1, so0, so1):
        wid = lax.axis_index("s") * 2 + lax.axis_index("c")
        w_per_plane = NW // d0
        z = wid // w_per_plane
        row0 = (wid % w_per_plane) * rows_per_w
        pltpu.sync_copy(phi_hbm, table_v)

        ibufs = (idx0, idx1)
        obufs = (out0, out1)
        isems = (si0, si1)
        osems = (so0, so1)

        def in_copy(g, b):
            return pltpu.make_async_copy(
                idx_hbm.at[z, pl.ds(row0 + g * R, R)], ibufs[b], isems[b])

        def out_copy(g, b):
            return pltpu.make_async_copy(
                obufs[b], out_hbm.at[z, pl.ds(row0 + g * R, R)], osems[b])

        def take16(x, m):
            dnums = lax.GatherDimensionNumbers(
                offset_dims=(), collapsed_slice_dims=(0,),
                start_index_map=(0,))
            return lax.gather(
                x, m[:, None], dnums, (1,),
                mode=lax.GatherScatterMode.PROMISE_IN_BOUNDS)

        t_lo = table_v[pl.ds(0, L)]
        t_hi = table_v[pl.ds(L, L)]

        def gather_chunk(ib, ob):
            for r in range(R):
                @plsc.parallel_loop(0, ROW, 2 * L, unroll=UNROLL // 2)
                def _(o):
                    v0 = ib[r, pl.ds(o, L)]
                    ob[r, pl.ds(o, L)] = plsc.load_gather(table_v, [v0])
                    v1 = ib[r, pl.ds(o + L, L)]
                    m = v1 & (L - 1)
                    a = take16(t_lo, m)
                    b = take16(t_hi, m)
                    ob[r, pl.ds(o + L, L)] = jnp.where(v1 >= L, b, a)

        in_copy(0, 0).start()

        def outer(go, carry):
            for b in range(2):
                g = go * 2 + b

                @pl.when(g + 1 < n_chunks)
                def _():
                    in_copy(g + 1, 1 - b).start()

                in_copy(g, b).wait()

                @pl.when(g >= 2)
                def _():
                    out_copy(g - 2, b).wait()

                gather_chunk(ibufs[b], obufs[b])
                out_copy(g, b).start()
            return carry

        lax.fori_loop(0, n_chunks // 2, outer, 0, unroll=False)
        out_copy(n_chunks - 2, 0).wait()
        out_copy(n_chunks - 1, 1).wait()

    return body


def kernel(bucketized_distance_matrix, phi_dist):
    d0, d1, d2 = bucketized_distance_matrix.shape
    idx = bucketized_distance_matrix.astype(jnp.int32)
    phi = phi_dist.reshape(-1).astype(jnp.float32)
    return _sc_lookup(d0, d1)(idx, phi)

# --- scband reference (transcript-rebuilt; emitter-appended) ---
"""Pipeline reference for scband-relative-position-bias-79370995630944 (READ-ONLY COPY).

The authoritative reference and input builder live on the scoring server;
editing this copy changes nothing except your own understanding.
"""

import jax, jax.numpy as jnp
import numpy as np

NUM_BUCKETS = 32

def setup_inputs(seed: int = 0) -> dict:
    key = jax.random.key(seed)
    k1, k2 = jax.random.split(key)
    idx = jax.random.randint(k1, (2, 4096, 4096), 0, NUM_BUCKETS).astype(jnp.int64)
    phi_dist = (jax.random.normal(k2, (NUM_BUCKETS, 1), dtype=jnp.float32) * 0.02)
    return {"bucketized_distance_matrix": idx, "phi_dist": phi_dist}

def reference(bucketized_distance_matrix, phi_dist):
    num_embeddings = phi_dist.shape[0]
    idx = jnp.clip(bucketized_distance_matrix, 0, num_embeddings - 1).astype(jnp.int32)
    bias_matrix = jnp.take(phi_dist, idx, axis=0).squeeze(-1)
    return bias_matrix

if __name__ == "__main__":
    import jax
    _d = setup_inputs()
    print(jax.jit(kernel)(*tuple(_d.values())))

</pallas_src>

<mosaic_0001>
#map = affine_map<(d0, d1) -> (0, 0, 0)>
#map1 = affine_map<(d0, d1) -> (0)>
module attributes {stable_mosaic.version = 14 : i64} {
  func.func @body(%arg0: i32, %arg1: i32, %arg2: memref<2x4096x4096xi32, #tpu.memory_space<hbm>>, %arg3: memref<32xf32, #tpu.memory_space<hbm>>, %arg4: memref<2x4096x4096xf32, #tpu.memory_space<hbm>>, %arg5: memref<32xf32, #tpu.memory_space<vmem>>, %arg6: memref<4x4096xi32, #tpu.memory_space<vmem>>, %arg7: memref<4x4096xi32, #tpu.memory_space<vmem>>, %arg8: memref<4x4096xf32, #tpu.memory_space<vmem>>, %arg9: memref<4x4096xf32, #tpu.memory_space<vmem>>, %arg10: memref<!tpu.dma_semaphore, #tpu.memory_space<semaphore_mem>>, %arg11: memref<!tpu.dma_semaphore, #tpu.memory_space<semaphore_mem>>, %arg12: memref<!tpu.dma_semaphore, #tpu.memory_space<semaphore_mem>>, %arg13: memref<!tpu.dma_semaphore, #tpu.memory_space<semaphore_mem>>) attributes {dimension_semantics = [#tpu.dimension_semantics<core_parallel>, #tpu.dimension_semantics<subcore_parallel>], iteration_bounds = array<i64: 2, 16>, scalar_prefetch = 0 : i64, scratch_operands = 9 : i64, tpu.core_type = #tpu.core_type<sc_vector_subcore>, window_params = [{transform_indices = #map}, {transform_indices = #map1}, {transform_indices = #map}]} {
    %mul3A = arith.constant 2 : i32
    %mul3A_0 = arith.muli %arg1, %mul3A : i32
    %add3A = arith.addi %mul3A_0, %arg0 : i32
    %jit3A = arith.constant 16 : i32
    %div3A = arith.divsi %add3A, %jit3A : i32
    %sign3A = arith.constant 0 : i32
    %sign3A_1 = arith.cmpi sgt, %add3A, %sign3A : i32
    %sign3A_2 = arith.extui %sign3A_1 : i1 to i32
    %sign3A_3 = arith.constant 0 : i32
    %sign3A_4 = arith.cmpi slt, %add3A, %sign3A_3 : i32
    %sign3A_5 = arith.extui %sign3A_4 : i1 to i32
    %sign3A_6 = arith.subi %sign3A_2, %sign3A_5 : i32
    %sign3A_7 = arith.constant 0 : i32
    %sign3A_8 = arith.cmpi sgt, %jit3A, %sign3A_7 : i32
    %sign3A_9 = arith.extui %sign3A_8 : i1 to i32
    %sign3A_10 = arith.constant 0 : i32
    %sign3A_11 = arith.cmpi slt, %jit3A, %sign3A_10 : i32
    %sign3A_12 = arith.extui %sign3A_11 : i1 to i32
    %sign3A_13 = arith.subi %sign3A_9, %sign3A_12 : i32
    %ne3A = arith.cmpi ne, %sign3A_6, %sign3A_13 : i32
    %rem3A = arith.remsi %add3A, %jit3A : i32
    %ne3A_14 = arith.constant 0 : i32
    %ne3A_15 = arith.cmpi ne, %rem3A, %ne3A_14 : i32
    %and3A = arith.andi %ne3A, %ne3A_15 : i1
    %sub3A = arith.constant 1 : i32
    %sub3A_16 = arith.subi %div3A, %sub3A : i32
    %select_n3A = arith.select %and3A, %sub3A_16, %div3A : i32
    %jit3A_17 = arith.constant 16 : i32
    %eq3A = arith.constant 0 : i32
    %eq3A_18 = arith.cmpi eq, %jit3A_17, %eq3A : i32
    %jit3A_19 = arith.constant 1 : i32
    %select_n3A_20 = arith.select %eq3A_18, %jit3A_19, %jit3A_17 : i32
    %rem3A_21 = arith.remsi %add3A, %select_n3A_20 : i32
    %ne3A_22 = arith.constant 0 : i32
    %ne3A_23 = arith.cmpi ne, %rem3A_21, %ne3A_22 : i32
    %lt3A = arith.constant 0 : i32
    %lt3A_24 = arith.cmpi slt, %rem3A_21, %lt3A : i32
    %lt3A_25 = arith.constant 0 : i32
    %lt3A_26 = arith.cmpi slt, %select_n3A_20, %lt3A_25 : i32
    %ne3A_27 = arith.xori %lt3A_24, %lt3A_26 : i1
    %and3A_28 = arith.andi %ne3A_27, %ne3A_23 : i1
    %add3A_29 = arith.addi %rem3A_21, %select_n3A_20 : i32
    %select_n3A_30 = arith.select %and3A_28, %add3A_29, %rem3A_21 : i32
    %mul3A_31 = arith.constant 256 : i32
    %mul3A_32 = arith.muli %select_n3A_30, %mul3A_31 : i32
    "tpu.region"() ({
      %run_scoped3A = tpu.sem_alloc : memref<!tpu.dma_semaphore, #tpu.memory_space<semaphore_mem>>
      tpu.enqueue_dma source(%arg3 : memref<32xf32, #tpu.memory_space<hbm>>) target(%arg5 : memref<32xf32, #tpu.memory_space<vmem>>) target_semaphore(%run_scoped3A : memref<!tpu.dma_semaphore, #tpu.memory_space<semaphore_mem>>)
      tpu.wait_dma2 semaphore(%run_scoped3A : memref<!tpu.dma_semaphore, #tpu.memory_space<semaphore_mem>>) src(%arg3 : memref<32xf32, #tpu.memory_space<hbm>>) dst(%arg5 : memref<32xf32, #tpu.memory_space<vmem>>)
      tpu.yield
    }) : () -> ()
    %get3A = arith.constant 0 : index
    %get3A_33 = tpu.vector_load %arg5[%get3A] {strides = array<i32>} : memref<32xf32, #tpu.memory_space<vmem>>, vector<16xf32>,
    %get3A_34 = arith.constant 16 : index
    %get3A_35 = tpu.vector_load %arg5[%get3A_34] {strides = array<i32>} : memref<32xf32, #tpu.memory_space<vmem>>, vector<16xf32>,
    %add3A_36 = arith.constant 0 : i32
    %add3A_37 = arith.addi %mul3A_32, %add3A_36 : i32
    %dma_start3A = arith.constant 0 : i32
    %dma_start3A_38 = tpu.memref_slice %arg2[%select_n3A, %add3A_37, %dma_start3A] : memref<2x4096x4096xi32, #tpu.memory_space<hbm>> -> memref<1x4x4096xi32, #tpu.memory_space<hbm>>
    %dma_start3A_39 = tpu.memref_squeeze %dma_start3A_38 : memref<1x4x4096xi32, #tpu.memory_space<hbm>> -> memref<4x4096xi32, #tpu.memory_space<hbm>>
    %dma_start3A_40 = arith.constant 0 : i32
    %dma_start3A_41 = tpu.memref_slice %arg2[%select_n3A, %add3A_37, %dma_start3A_40] : memref<2x4096x4096xi32, #tpu.memory_space<hbm>> -> memref<1x4x4096xi32, #tpu.memory_space<hbm>>
    %dma_start3A_42 = tpu.memref_squeeze %dma_start3A_41 : memref<1x4x4096xi32, #tpu.memory_space<hbm>> -> memref<4x4096xi32, #tpu.memory_space<hbm>>
    tpu.enqueue_dma source(%dma_start3A_42 : memref<4x4096xi32, #tpu.memory_space<hbm>>) target(%arg6 : memref<4x4096xi32, #tpu.memory_space<vmem>>) target_semaphore(%arg10 : memref<!tpu.dma_semaphore, #tpu.memory_space<semaphore_mem>>)
    %scan3A = arith.constant 0 : i32
    %scan3A_43 = arith.constant 0 : i32
    %scan3A_44 = arith.constant 32 : i32
    %scan3A_45 = arith.addi %scan3A_43, %scan3A_44 : i32
    %scan3A_46 = arith.constant 1 : i32
    scf.for %scan3A_63 = %scan3A_43 to %scan3A_45 step %scan3A_46  : i32 {
      %mul3A_64 = arith.constant 2 : i32
      %mul3A_65 = arith.muli %scan3A_63, %mul3A_64 : i32
      %add3A_66 = arith.constant 0 : i32
      %add3A_67 = arith.addi %mul3A_65, %add3A_66 : i32
      %add3A_68 = arith.constant 1 : i32
      %add3A_69 = arith.addi %add3A_67, %add3A_68 : i32
      %lt3A_70 = arith.constant 64 : i32
      %lt3A_71 = arith.cmpi slt, %add3A_69, %lt3A_70 : i32
      %convert_element_type3A = arith.extui %lt3A_71 : i1 to i32
      %cond3A = arith.constant 0 : i32
      %cond3A_72 = arith.cmpi ne, %convert_element_type3A, %cond3A : i32
      scf.if %cond3A_72 {
        %add3A_152 = arith.constant 1 : i32
        %add3A_153 = arith.addi %add3A_67, %add3A_152 : i32
        %mul3A_154 = arith.constant 4 : i32
        %mul3A_155 = arith.muli %add3A_153, %mul3A_154 : i32
        %add3A_156 = arith.addi %mul3A_32, %mul3A_155 : i32
        %dma_start3A_157 = arith.constant 0 : i32
        %dma_start3A_158 = tpu.memref_slice %arg2[%select_n3A, %add3A_156, %dma_start3A_157] : memref<2x4096x4096xi32, #tpu.memory_space<hbm>> -> memref<1x4x4096xi32, #tpu.memory_space<hbm>>
        %dma_start3A_159 = tpu.memref_squeeze %dma_start3A_158 : memref<1x4x4096xi32, #tpu.memory_space<hbm>> -> memref<4x4096xi32, #tpu.memory_space<hbm>>
        %dma_start3A_160 = arith.constant 0 : i32
        %dma_start3A_161 = tpu.memref_slice %arg2[%select_n3A, %add3A_156, %dma_start3A_160] : memref<2x4096x4096xi32, #tpu.memory_space<hbm>> -> memref<1x4x4096xi32, #tpu.memory_space<hbm>>
        %dma_start3A_162 = tpu.memref_squeeze %dma_start3A_161 : memref<1x4x4096xi32, #tpu.memory_space<hbm>> -> memref<4x4096xi32, #tpu.memory_space<hbm>>
        tpu.enqueue_dma source(%dma_start3A_162 : memref<4x4096xi32, #tpu.memory_space<hbm>>) target(%arg7 : memref<4x4096xi32, #tpu.memory_space<vmem>>) target_semaphore(%arg11 : memref<!tpu.dma_semaphore, #tpu.memory_space<semaphore_mem>>)
      } else {
      }
      %mul3A_73 = arith.constant 4 : i32
      %mul3A_74 = arith.muli %add3A_67, %mul3A_73 : i32
      %add3A_75 = arith.addi %mul3A_32, %mul3A_74 : i32
      %dma_wait3A_76 = arith.constant 0 : i32
      %dma_wait3A_77 = tpu.memref_slice %arg2[%select_n3A, %add3A_75, %dma_wait3A_76] : memref<2x4096x4096xi32, #tpu.memory_space<hbm>> -> memref<1x4x4096xi32, #tpu.memory_space<hbm>>
      %dma_wait3A_78 = tpu.memref_squeeze %dma_wait3A_77 : memref<1x4x4096xi32, #tpu.memory_space<hbm>> -> memref<4x4096xi32, #tpu.memory_space<hbm>>
      %dma_wait3A_79 = arith.constant 0 : i32
      %dma_wait3A_80 = tpu.memref_slice %arg2[%select_n3A, %add3A_75, %dma_wait3A_79] : memref<2x4096x4096xi32, #tpu.memory_space<hbm>> -> memref<1x4x4096xi32, #tpu.memory_space<hbm>>
      %dma_wait3A_81 = tpu.memref_squeeze %dma_wait3A_80 : memref<1x4x4096xi32, #tpu.memory_space<hbm>> -> memref<4x4096xi32, #tpu.memory_space<hbm>>
      tpu.wait_dma2 semaphore(%arg10 : memref<!tpu.dma_semaphore, #tpu.memory_space<semaphore_mem>>) src(%dma_wait3A_81 : memref<4x4096xi32, #tpu.memory_space<hbm>>) dst(%arg6 : memref<4x4096xi32, #tpu.memory_space<vmem>>)
      %ge3A = arith.constant 2 : i32
      %ge3A_82 = arith.cmpi sge, %add3A_67, %ge3A : i32
      %convert_element_type3A_83 = arith.extui %ge3A_82 : i1 to i32
      %cond3A_84 = arith.constant 0 : i32
      %cond3A_85 = arith.cmpi ne, %convert_element_type3A_83, %cond3A_84 : i32
      scf.if %cond3A_85 {
        %sub3A_152 = arith.constant 2 : i32
        %sub3A_153 = arith.subi %add3A_67, %sub3A_152 : i32
        %mul3A_154 = arith.constant 4 : i32
        %mul3A_155 = arith.muli %sub3A_153, %mul3A_154 : i32
        %add3A_156 = arith.addi %mul3A_32, %mul3A_155 : i32
        %dma_wait3A_157 = arith.constant 0 : i32
        %dma_wait3A_158 = tpu.memref_slice %arg4[%select_n3A, %add3A_156, %dma_wait3A_157] : memref<2x4096x4096xf32, #tpu.memory_space<hbm>> -> memref<1x4x4096xf32, #tpu.memory_space<hbm>>
        %dma_wait3A_159 = tpu.memref_squeeze %dma_wait3A_158 : memref<1x4x4096xf32, #tpu.memory_space<hbm>> -> memref<4x4096xf32, #tpu.memory_space<hbm>>
        %dma_wait3A_160 = arith.constant 0 : i32
        %dma_wait3A_161 = tpu.memref_slice %arg4[%select_n3A, %add3A_156, %dma_wait3A_160] : memref<2x4096x4096xf32, #tpu.memory_space<hbm>> -> memref<1x4x4096xf32, #tpu.memory_space<hbm>>
        %dma_wait3A_162 = tpu.memref_squeeze %dma_wait3A_161 : memref<1x4x4096xf32, #tpu.memory_space<hbm>> -> memref<4x4096xf32, #tpu.memory_space<hbm>>
        tpu.wait_dma2 semaphore(%arg12 : memref<!tpu.dma_semaphore, #tpu.memory_space<semaphore_mem>>) src(%arg8 : memref<4x4096xf32, #tpu.memory_space<vmem>>) dst(%dma_wait3A_162 : memref<4x4096xf32, #tpu.memory_space<hbm>>)
      } else {
      }
      %parallel_loop3A = arith.constant 0 : i32
      %parallel_loop3A_86 = arith.constant 4096 : i32
      %parallel_loop3A_87 = arith.constant 32 : i32
      scf.for %parallel_loop3A_152 = %parallel_loop3A to %parallel_loop3A_86 step %parallel_loop3A_87  : i32 {
        %parallel_loop3A_153 = arith.constant 0 : i32
        %parallel_loop3A_154 = arith.index_cast %parallel_loop3A_153 : i32 to index
        %parallel_loop3A_155 = arith.index_cast %parallel_loop3A_152 : i32 to index
        %parallel_loop3A_156 = tpu.vector_load %arg6[%parallel_loop3A_154, %parallel_loop3A_155] {strides = array<i32>} : memref<4x4096xi32, #tpu.memory_space<vmem>>, vector<16xi32>,
        %parallel_loop3A_157 = tpu.vector_load_idx %arg5[%parallel_loop3A_156] : memref<32xf32, #tpu.memory_space<vmem>>[vector<16xi32>], vector<16xf32>,
        %parallel_loop3A_158 = arith.constant 0 : i32
        %parallel_loop3A_159 = arith.index_cast %parallel_loop3A_158 : i32 to index
        %parallel_loop3A_160 = arith.index_cast %parallel_loop3A_152 : i32 to index
        %parallel_loop3A_161 = tpu.vector_load %arg8[%parallel_loop3A_159, %parallel_loop3A_160] {strides = array<i32>} : memref<4x4096xf32, #tpu.memory_space<vmem>>, vector<16xf32>,
        tpu.vector_store %arg8[%parallel_loop3A_159, %parallel_loop3A_160], %parallel_loop3A_157 {strides = array<i32>} : memref<4x4096xf32, #tpu.memory_space<vmem>>, vector<16xf32>,
        %parallel_loop3A_162 = arith.constant 16 : i32
        %parallel_loop3A_163 = arith.addi %parallel_loop3A_152, %parallel_loop3A_162 : i32
        %parallel_loop3A_164 = arith.constant 0 : i32
        %parallel_loop3A_165 = arith.index_cast %parallel_loop3A_164 : i32 to index
        %parallel_loop3A_166 = arith.index_cast %parallel_loop3A_163 : i32 to index
        %parallel_loop3A_167 = tpu.vector_load %arg6[%parallel_loop3A_165, %parallel_loop3A_166] {strides = array<i32>} : memref<4x4096xi32, #tpu.memory_space<vmem>>, vector<16xi32>,
        %parallel_loop3A_168 = arith.constant 15 : i32
        %parallel_loop3A_169 = vector.broadcast %parallel_loop3A_168 : i32 to vector<16xi32>
        %parallel_loop3A_170 = arith.andi %parallel_loop3A_167, %parallel_loop3A_169 : vector<16xi32>
        %parallel_loop3A_171 = vector.shape_cast %parallel_loop3A_170 : vector<16xi32> to vector<16x1xi32>
        %parallel_loop3A_172 = vector.shape_cast %parallel_loop3A_171 : vector<16x1xi32> to vector<16xi32>
        %parallel_loop3A_173 = tpu.dynamic_gather %get3A_33[%parallel_loop3A_172] in [0] : vector<16xf32>, vector<16xi32> -> vector<16xf32>
        %parallel_loop3A_174 = vector.shape_cast %parallel_loop3A_170 : vector<16xi32> to vector<16x1xi32>
        %parallel_loop3A_175 = vector.shape_cast %parallel_loop3A_174 : vector<16x1xi32> to vector<16xi32>
        %parallel_loop3A_176 = tpu.dynamic_gather %get3A_35[%parallel_loop3A_175] in [0] : vector<16xf32>, vector<16xi32> -> vector<16xf32>
        %parallel_loop3A_177 = arith.constant 16 : i32
        %parallel_loop3A_178 = vector.broadcast %parallel_loop3A_177 : i32 to vector<16xi32>
        %parallel_loop3A_179 = arith.cmpi sge, %parallel_loop3A_167, %parallel_loop3A_178 : vector<16xi32>
        %parallel_loop3A_180 = arith.select %parallel_loop3A_179, %parallel_loop3A_176, %parallel_loop3A_173 : vector<16xi1>, vector<16xf32>
        %parallel_loop3A_181 = arith.constant 16 : i32
        %parallel_loop3A_182 = arith.addi %parallel_loop3A_152, %parallel_loop3A_181 : i32
        %parallel_loop3A_183 = arith.constant 0 : i32
        %parallel_loop3A_184 = arith.index_cast %parallel_loop3A_183 : i32 to index
        %parallel_loop3A_185 = arith.index_cast %parallel_loop3A_182 : i32 to index
        %parallel_loop3A_186 = tpu.vector_load %arg8[%parallel_loop3A_184, %parallel_loop3A_185] {strides = array<i32>} : memref<4x4096xf32, #tpu.memory_space<vmem>>, vector<16xf32>,
        tpu.vector_store %arg8[%parallel_loop3A_184, %parallel_loop3A_185], %parallel_loop3A_180 {strides = array<i32>} : memref<4x4096xf32, #tpu.memory_space<vmem>>, vector<16xf32>,
      } {sc.loop_unroll_factor = 4 : i64, sc.parallel_access}
      %parallel_loop3A_88 = arith.constant 0 : i32
      %parallel_loop3A_89 = arith.constant 4096 : i32
      %parallel_loop3A_90 = arith.constant 32 : i32
      scf.for %parallel_loop3A_152 = %parallel_loop3A_88 to %parallel_loop3A_89 step %parallel_loop3A_90  : i32 {
        %parallel_loop3A_153 = arith.constant 1 : i32
        %parallel_loop3A_154 = arith.index_cast %parallel_loop3A_153 : i32 to index
        %parallel_loop3A_155 = arith.index_cast %parallel_loop3A_152 : i32 to index
        %parallel_loop3A_156 = tpu.vector_load %arg6[%parallel_loop3A_154, %parallel_loop3A_155] {strides = array<i32>} : memref<4x4096xi32, #tpu.memory_space<vmem>>, vector<16xi32>,
        %parallel_loop3A_157 = tpu.vector_load_idx %arg5[%parallel_loop3A_156] : memref<32xf32, #tpu.memory_space<vmem>>[vector<16xi32>], vector<16xf32>,
        %parallel_loop3A_158 = arith.constant 1 : i32
        %parallel_loop3A_159 = arith.index_cast %parallel_loop3A_158 : i32 to index
        %parallel_loop3A_160 = arith.index_cast %parallel_loop3A_152 : i32 to index
        %parallel_loop3A_161 = tpu.vector_load %arg8[%parallel_loop3A_159, %parallel_loop3A_160] {strides = array<i32>} : memref<4x4096xf32, #tpu.memory_space<vmem>>, vector<16xf32>,
        tpu.vector_store %arg8[%parallel_loop3A_159, %parallel_loop3A_160], %parallel_loop3A_157 {strides = array<i32>} : memref<4x4096xf32, #tpu.memory_space<vmem>>, vector<16xf32>,
        %parallel_loop3A_162 = arith.constant 16 : i32
        %parallel_loop3A_163 = arith.addi %parallel_loop3A_152, %parallel_loop3A_162 : i32
        %parallel_loop3A_164 = arith.constant 1 : i32
        %parallel_loop3A_165 = arith.index_cast %parallel_loop3A_164 : i32 to index
        %parallel_loop3A_166 = arith.index_cast %parallel_loop3A_163 : i32 to index
        %parallel_loop3A_167 = tpu.vector_load %arg6[%parallel_loop3A_165, %parallel_loop3A_166] {strides = array<i32>} : memref<4x4096xi32, #tpu.memory_space<vmem>>, vector<16xi32>,
        %parallel_loop3A_168 = arith.constant 15 : i32
        %parallel_loop3A_169 = vector.broadcast %parallel_loop3A_168 : i32 to vector<16xi32>
        %parallel_loop3A_170 = arith.andi %parallel_loop3A_167, %parallel_loop3A_169 : vector<16xi32>
        %parallel_loop3A_171 = vector.shape_cast %parallel_loop3A_170 : vector<16xi32> to vector<16x1xi32>
        %parallel_loop3A_172 = vector.shape_cast %parallel_loop3A_171 : vector<16x1xi32> to vector<16xi32>
        %parallel_loop3A_173 = tpu.dynamic_gather %get3A_33[%parallel_loop3A_172] in [0] : vector<16xf32>, vector<16xi32> -> vector<16xf32>
        %parallel_loop3A_174 = vector.shape_cast %parallel_loop3A_170 : vector<16xi32> to vector<16x1xi32>
        %parallel_loop3A_175 = vector.shape_cast %parallel_loop3A_174 : vector<16x1xi32> to vector<16xi32>
        %parallel_loop3A_176 = tpu.dynamic_gather %get3A_35[%parallel_loop3A_175] in [0] : vector<16xf32>, vector<16xi32> -> vector<16xf32>
        %parallel_loop3A_177 = arith.constant 16 : i32
        %parallel_loop3A_178 = vector.broadcast %parallel_loop3A_177 : i32 to vector<16xi32>
        %parallel_loop3A_179 = arith.cmpi sge, %parallel_loop3A_167, %parallel_loop3A_178 : vector<16xi32>
        %parallel_loop3A_180 = arith.select %parallel_loop3A_179, %parallel_loop3A_176, %parallel_loop3A_173 : vector<16xi1>, vector<16xf32>
        %parallel_loop3A_181 = arith.constant 16 : i32
        %parallel_loop3A_182 = arith.addi %parallel_loop3A_152, %parallel_loop3A_181 : i32
        %parallel_loop3A_183 = arith.constant 1 : i32
        %parallel_loop3A_184 = arith.index_cast %parallel_loop3A_183 : i32 to index
        %parallel_loop3A_185 = arith.index_cast %parallel_loop3A_182 : i32 to index
        %parallel_loop3A_186 = tpu.vector_load %arg8[%parallel_loop3A_184, %parallel_loop3A_185] {strides = array<i32>} : memref<4x4096xf32, #tpu.memory_space<vmem>>, vector<16xf32>,
        tpu.vector_store %arg8[%parallel_loop3A_184, %parallel_loop3A_185], %parallel_loop3A_180 {strides = array<i32>} : memref<4x4096xf32, #tpu.memory_space<vmem>>, vector<16xf32>,
      } {sc.loop_unroll_factor = 4 : i64, sc.parallel_access}
      %parallel_loop3A_91 = arith.constant 0 : i32
      %parallel_loop3A_92 = arith.constant 4096 : i32
      %parallel_loop3A_93 = arith.constant 32 : i32
      scf.for %parallel_loop3A_152 = %parallel_loop3A_91 to %parallel_loop3A_92 step %parallel_loop3A_93  : i32 {
        %parallel_loop3A_153 = arith.constant 2 : i32
        %parallel_loop3A_154 = arith.index_cast %parallel_loop3A_153 : i32 to index
        %parallel_loop3A_155 = arith.index_cast %parallel_loop3A_152 : i32 to index
        %parallel_loop3A_156 = tpu.vector_load %arg6[%parallel_loop3A_154, %parallel_loop3A_155] {strides = array<i32>} : memref<4x4096xi32, #tpu.memory_space<vmem>>, vector<16xi32>,
        %parallel_loop3A_157 = tpu.vector_load_idx %arg5[%parallel_loop3A_156] : memref<32xf32, #tpu.memory_space<vmem>>[vector<16xi32>], vector<16xf32>,
        %parallel_loop3A_158 = arith.constant 2 : i32
        %parallel_loop3A_159 = arith.index_cast %parallel_loop3A_158 : i32 to index
        %parallel_loop3A_160 = arith.index_cast %parallel_loop3A_152 : i32 to index
        %parallel_loop3A_161 = tpu.vector_load %arg8[%parallel_loop3A_159, %parallel_loop3A_160] {strides = array<i32>} : memref<4x4096xf32, #tpu.memory_space<vmem>>, vector<16xf32>,
        tpu.vector_store %arg8[%parallel_loop3A_159, %parallel_loop3A_160], %parallel_loop3A_157 {strides = array<i32>} : memref<4x4096xf32, #tpu.memory_space<vmem>>, vector<16xf32>,
        %parallel_loop3A_162 = arith.constant 16 : i32
        %parallel_loop3A_163 = arith.addi %parallel_loop3A_152, %parallel_loop3A_162 : i32
        %parallel_loop3A_164 = arith.constant 2 : i32
        %parallel_loop3A_165 = arith.index_cast %parallel_loop3A_164 : i32 to index
        %parallel_loop3A_166 = arith.index_cast %parallel_loop3A_163 : i32 to index
        %parallel_loop3A_167 = tpu.vector_load %arg6[%parallel_loop3A_165, %parallel_loop3A_166] {strides = array<i32>} : memref<4x4096xi32, #tpu.memory_space<vmem>>, vector<16xi32>,
        %parallel_loop3A_168 = arith.constant 15 : i32
        %parallel_loop3A_169 = vector.broadcast %parallel_loop3A_168 : i32 to vector<16xi32>
        %parallel_loop3A_170 = arith.andi %parallel_loop3A_167, %parallel_loop3A_169 : vector<16xi32>
        %parallel_loop3A_171 = vector.shape_cast %parallel_loop3A_170 : vector<16xi32> to vector<16x1xi32>
        %parallel_loop3A_172 = vector.shape_cast %parallel_loop3A_171 : vector<16x1xi32> to vector<16xi32>
        %parallel_loop3A_173 = tpu.dynamic_gather %get3A_33[%parallel_loop3A_172] in [0] : vector<16xf32>, vector<16xi32> -> vector<16xf32>
        %parallel_loop3A_174 = vector.shape_cast %parallel_loop3A_170 : vector<16xi32> to vector<16x1xi32>
        %parallel_loop3A_175 = vector.shape_cast %parallel_loop3A_174 : vector<16x1xi32> to vector<16xi32>
        %parallel_loop3A_176 = tpu.dynamic_gather %get3A_35[%parallel_loop3A_175] in [0] : vector<16xf32>, vector<16xi32> -> vector<16xf32>
        %parallel_loop3A_177 = arith.constant 16 : i32
        %parallel_loop3A_178 = vector.broadcast %parallel_loop3A_177 : i32 to vector<16xi32>
        %parallel_loop3A_179 = arith.cmpi sge, %parallel_loop3A_167, %parallel_loop3A_178 : vector<16xi32>
        %parallel_loop3A_180 = arith.select %parallel_loop3A_179, %parallel_loop3A_176, %parallel_loop3A_173 : vector<16xi1>, vector<16xf32>
        %parallel_loop3A_181 = arith.constant 16 : i32
        %parallel_loop3A_182 = arith.addi %parallel_loop3A_152, %parallel_loop3A_181 : i32
        %parallel_loop3A_183 = arith.constant 2 : i32
        %parallel_loop3A_184 = arith.index_cast %parallel_loop3A_183 : i32 to index
        %parallel_loop3A_185 = arith.index_cast %parallel_loop3A_182 : i32 to index
        %parallel_loop3A_186 = tpu.vector_load %arg8[%parallel_loop3A_184, %parallel_loop3A_185] {strides = array<i32>} : memref<4x4096xf32, #tpu.memory_space<vmem>>, vector<16xf32>,
        tpu.vector_store %arg8[%parallel_loop3A_184, %parallel_loop3A_185], %parallel_loop3A_180 {strides = array<i32>} : memref<4x4096xf32, #tpu.memory_space<vmem>>, vector<16xf32>,
      } {sc.loop_unroll_factor = 4 : i64, sc.parallel_access}
      %parallel_loop3A_94 = arith.constant 0 : i32
      %parallel_loop3A_95 = arith.constant 4096 : i32
      %parallel_loop3A_96 = arith.constant 32 : i32
      scf.for %parallel_loop3A_152 = %parallel_loop3A_94 to %parallel_loop3A_95 step %parallel_loop3A_96  : i32 {
        %parallel_loop3A_153 = arith.constant 3 : i32
        %parallel_loop3A_154 = arith.index_cast %parallel_loop3A_153 : i32 to index
        %parallel_loop3A_155 = arith.index_cast %parallel_loop3A_152 : i32 to index
        %parallel_loop3A_156 = tpu.vector_load %arg6[%parallel_loop3A_154, %parallel_loop3A_155] {strides = array<i32>} : memref<4x4096xi32, #tpu.memory_space<vmem>>, vector<16xi32>,
        %parallel_loop3A_157 = tpu.vector_load_idx %arg5[%parallel_loop3A_156] : memref<32xf32, #tpu.memory_space<vmem>>[vector<16xi32>], vector<16xf32>,
        %parallel_loop3A_158 = arith.constant 3 : i32
        %parallel_loop3A_159 = arith.index_cast %parallel_loop3A_158 : i32 to index
        %parallel_loop3A_160 = arith.index_cast %parallel_loop3A_152 : i32 to index
        %parallel_loop3A_161 = tpu.vector_load %arg8[%parallel_loop3A_159, %parallel_loop3A_160] {strides = array<i32>} : memref<4x4096xf32, #tpu.memory_space<vmem>>, vector<16xf32>,
        tpu.vector_store %arg8[%parallel_loop3A_159, %parallel_loop3A_160], %parallel_loop3A_157 {strides = array<i32>} : memref<4x4096xf32, #tpu.memory_space<vmem>>, vector<16xf32>,
        %parallel_loop3A_162 = arith.constant 16 : i32
        %parallel_loop3A_163 = arith.addi %parallel_loop3A_152, %parallel_loop3A_162 : i32
        %parallel_loop3A_164 = arith.constant 3 : i32
        %parallel_loop3A_165 = arith.index_cast %parallel_loop3A_164 : i32 to index
        %parallel_loop3A_166 = arith.index_cast %parallel_loop3A_163 : i32 to index
        %parallel_loop3A_167 = tpu.vector_load %arg6[%parallel_loop3A_165, %parallel_loop3A_166] {strides = array<i32>} : memref<4x4096xi32, #tpu.memory_space<vmem>>, vector<16xi32>,
        %parallel_loop3A_168 = arith.constant 15 : i32
        %parallel_loop3A_169 = vector.broadcast %parallel_loop3A_168 : i32 to vector<16xi32>
        %parallel_loop3A_170 = arith.andi %parallel_loop3A_167, %parallel_loop3A_169 : vector<16xi32>
        %parallel_loop3A_171 = vector.shape_cast %parallel_loop3A_170 : vector<16xi32> to vector<16x1xi32>
        %parallel_loop3A_172 = vector.shape_cast %parallel_loop3A_171 : vector<16x1xi32> to vector<16xi32>
        %parallel_loop3A_173 = tpu.dynamic_gather %get3A_33[%parallel_loop3A_172] in [0] : vector<16xf32>, vector<16xi32> -> vector<16xf32>
        %parallel_loop3A_174 = vector.shape_cast %parallel_loop3A_170 : vector<16xi32> to vector<16x1xi32>
        %parallel_loop3A_175 = vector.shape_cast %parallel_loop3A_174 : vector<16x1xi32> to vector<16xi32>
        %parallel_loop3A_176 = tpu.dynamic_gather %get3A_35[%parallel_loop3A_175] in [0] : vector<16xf32>, vector<16xi32> -> vector<16xf32>
        %parallel_loop3A_177 = arith.constant 16 : i32
        %parallel_loop3A_178 = vector.broadcast %parallel_loop3A_177 : i32 to vector<16xi32>
        %parallel_loop3A_179 = arith.cmpi sge, %parallel_loop3A_167, %parallel_loop3A_178 : vector<16xi32>
        %parallel_loop3A_180 = arith.select %parallel_loop3A_179, %parallel_loop3A_176, %parallel_loop3A_173 : vector<16xi1>, vector<16xf32>
        %parallel_loop3A_181 = arith.constant 16 : i32
        %parallel_loop3A_182 = arith.addi %parallel_loop3A_152, %parallel_loop3A_181 : i32
        %parallel_loop3A_183 = arith.constant 3 : i32
        %parallel_loop3A_184 = arith.index_cast %parallel_loop3A_183 : i32 to index
        %parallel_loop3A_185 = arith.index_cast %parallel_loop3A_182 : i32 to index
        %parallel_loop3A_186 = tpu.vector_load %arg8[%parallel_loop3A_184, %parallel_loop3A_185] {strides = array<i32>} : memref<4x4096xf32, #tpu.memory_space<vmem>>, vector<16xf32>,
        tpu.vector_store %arg8[%parallel_loop3A_184, %parallel_loop3A_185], %parallel_loop3A_180 {strides = array<i32>} : memref<4x4096xf32, #tpu.memory_space<vmem>>, vector<16xf32>,
      } {sc.loop_unroll_factor = 4 : i64, sc.parallel_access}
      %mul3A_97 = arith.constant 4 : i32
      %mul3A_98 = arith.muli %add3A_67, %mul3A_97 : i32
      %add3A_99 = arith.addi %mul3A_32, %mul3A_98 : i32
      %dma_start3A_100 = arith.constant 0 : i32
      %dma_start3A_101 = tpu.memref_slice %arg4[%select_n3A, %add3A_99, %dma_start3A_100] : memref<2x4096x4096xf32, #tpu.memory_space<hbm>> -> memref<1x4x4096xf32, #tpu.memory_space<hbm>>
      %dma_start3A_102 = tpu.memref_squeeze %dma_start3A_101 : memref<1x4x4096xf32, #tpu.memory_space<hbm>> -> memref<4x4096xf32, #tpu.memory_space<hbm>>
      %dma_start3A_103 = arith.constant 0 : i32
      %dma_start3A_104 = tpu.memref_slice %arg4[%select_n3A, %add3A_99, %dma_start3A_103] : memref<2x4096x4096xf32, #tpu.memory_space<hbm>> -> memref<1x4x4096xf32, #tpu.memory_space<hbm>>
      %dma_start3A_105 = tpu.memref_squeeze %dma_start3A_104 : memref<1x4x4096xf32, #tpu.memory_space<hbm>> -> memref<4x4096xf32, #tpu.memory_space<hbm>>
      tpu.enqueue_dma source(%arg8 : memref<4x4096xf32, #tpu.memory_space<vmem>>) target(%dma_start3A_105 : memref<4x4096xf32, #tpu.memory_space<hbm>>) target_semaphore(%arg12 : memref<!tpu.dma_semaphore, #tpu.memory_space<semaphore_mem>>)
      %mul3A_106 = arith.constant 2 : i32
      %mul3A_107 = arith.muli %scan3A_63, %mul3A_106 : i32
      %add3A_108 = arith.constant 1 : i32
      %add3A_109 = arith.addi %mul3A_107, %add3A_108 : i32
      %add3A_110 = arith.constant 1 : i32
      %add3A_111 = arith.addi %add3A_109, %add3A_110 : i32
      %lt3A_112 = arith.constant 64 : i32
      %lt3A_113 = arith.cmpi slt, %add3A_111, %lt3A_112 : i32
      %convert_element_type3A_114 = arith.extui %lt3A_113 : i1 to i32
      %cond3A_115 = arith.constant 0 : i32
      %cond3A_116 = arith.cmpi ne, %convert_element_type3A_114, %cond3A_115 : i32
      scf.if %cond3A_116 {
        %add3A_152 = arith.constant 1 : i32
        %add3A_153 = arith.addi %add3A_109, %add3A_152 : i32
        %mul3A_154 = arith.constant 4 : i32
        %mul3A_155 = arith.muli %add3A_153, %mul3A_154 : i32
        %add3A_156 = arith.addi %mul3A_32, %mul3A_155 : i32
        %dma_start3A_157 = arith.constant 0 : i32
        %dma_start3A_158 = tpu.memref_slice %arg2[%select_n3A, %add3A_156, %dma_start3A_157] : memref<2x4096x4096xi32, #tpu.memory_space<hbm>> -> memref<1x4x4096xi32, #tpu.memory_space<hbm>>
        %dma_start3A_159 = tpu.memref_squeeze %dma_start3A_158 : memref<1x4x4096xi32, #tpu.memory_space<hbm>> -> memref<4x4096xi32, #tpu.memory_space<hbm>>
        %dma_start3A_160 = arith.constant 0 : i32
        %dma_start3A_161 = tpu.memref_slice %arg2[%select_n3A, %add3A_156, %dma_start3A_160] : memref<2x4096x4096xi32, #tpu.memory_space<hbm>> -> memref<1x4x4096xi32, #tpu.memory_space<hbm>>
        %dma_start3A_162 = tpu.memref_squeeze %dma_start3A_161 : memref<1x4x4096xi32, #tpu.memory_space<hbm>> -> memref<4x4096xi32, #tpu.memory_space<hbm>>
        tpu.enqueue_dma source(%dma_start3A_162 : memref<4x4096xi32, #tpu.memory_space<hbm>>) target(%arg6 : memref<4x4096xi32, #tpu.memory_space<vmem>>) target_semaphore(%arg10 : memref<!tpu.dma_semaphore, #tpu.memory_space<semaphore_mem>>)
      } else {
      }
      %mul3A_117 = arith.constant 4 : i32
      %mul3A_118 = arith.muli %add3A_109, %mul3A_117 : i32
      %add3A_119 = arith.addi %mul3A_32, %mul3A_118 : i32
      %dma_wait3A_120 = arith.constant 0 : i32
      %dma_wait3A_121 = tpu.memref_slice %arg2[%select_n3A, %add3A_119, %dma_wait3A_120] : memref<2x4096x4096xi32, #tpu.memory_space<hbm>> -> memref<1x4x4096xi32, #tpu.memory_space<hbm>>
      %dma_wait3A_122 = tpu.memref_squeeze %dma_wait3A_121 : memref<1x4x4096xi32, #tpu.memory_space<hbm>> -> memref<4x4096xi32, #tpu.memory_space<hbm>>
      %dma_wait3A_123 = arith.constant 0 : i32
      %dma_wait3A_124 = tpu.memref_slice %arg2[%select_n3A, %add3A_119, %dma_wait3A_123] : memref<2x4096x4096xi32, #tpu.memory_space<hbm>> -> memref<1x4x4096xi32, #tpu.memory_space<hbm>>
      %dma_wait3A_125 = tpu.memref_squeeze %dma_wait3A_124 : memref<1x4x4096xi32, #tpu.memory_space<hbm>> -> memref<4x4096xi32, #tpu.memory_space<hbm>>
      tpu.wait_dma2 semaphore(%arg11 : memref<!tpu.dma_semaphore, #tpu.memory_space<semaphore_mem>>) src(%dma_wait3A_125 : memref<4x4096xi32, #tpu.memory_space<hbm>>) dst(%arg7 : memref<4x4096xi32, #tpu.memory_space<vmem>>)
      %ge3A_126 = arith.constant 2 : i32
      %ge3A_127 = arith.cmpi sge, %add3A_109, %ge3A_126 : i32
      %convert_element_type3A_128 = arith.extui %ge3A_127 : i1 to i32
      %cond3A_129 = arith.constant 0 : i32
      %cond3A_130 = arith.cmpi ne, %convert_element_type3A_128, %cond3A_129 : i32
      scf.if %cond3A_130 {
        %sub3A_152 = arith.constant 2 : i32
        %sub3A_153 = arith.subi %add3A_109, %sub3A_152 : i32
        %mul3A_154 = arith.constant 4 : i32
        %mul3A_155 = arith.muli %sub3A_153, %mul3A_154 : i32
        %add3A_156 = arith.addi %mul3A_32, %mul3A_155 : i32
        %dma_wait3A_157 = arith.constant 0 : i32
        %dma_wait3A_158 = tpu.memref_slice %arg4[%select_n3A, %add3A_156, %dma_wait3A_157] : memref<2x4096x4096xf32, #tpu.memory_space<hbm>> -> memref<1x4x4096xf32, #tpu.memory_space<hbm>>
        %dma_wait3A_159 = tpu.memref_squeeze %dma_wait3A_158 : memref<1x4x4096xf32, #tpu.memory_space<hbm>> -> memref<4x4096xf32, #tpu.memory_space<hbm>>
        %dma_wait3A_160 = arith.constant 0 : i32
        %dma_wait3A_161 = tpu.memref_slice %arg4[%select_n3A, %add3A_156, %dma_wait3A_160] : memref<2x4096x4096xf32, #tpu.memory_space<hbm>> -> memref<1x4x4096xf32, #tpu.memory_space<hbm>>
        %dma_wait3A_162 = tpu.memref_squeeze %dma_wait3A_161 : memref<1x4x4096xf32, #tpu.memory_space<hbm>> -> memref<4x4096xf32, #tpu.memory_space<hbm>>
        tpu.wait_dma2 semaphore(%arg13 : memref<!tpu.dma_semaphore, #tpu.memory_space<semaphore_mem>>) src(%arg9 : memref<4x4096xf32, #tpu.memory_space<vmem>>) dst(%dma_wait3A_162 : memref<4x4096xf32, #tpu.memory_space<hbm>>)
      } else {
      }
      %parallel_loop3A_131 = arith.constant 0 : i32
      %parallel_loop3A_132 = arith.constant 4096 : i32
      %parallel_loop3A_133 = arith.constant 32 : i32
      scf.for %parallel_loop3A_152 = %parallel_loop3A_131 to %parallel_loop3A_132 step %parallel_loop3A_133  : i32 {
        %parallel_loop3A_153 = arith.constant 0 : i32
        %parallel_loop3A_154 = arith.index_cast %parallel_loop3A_153 : i32 to index
        %parallel_loop3A_155 = arith.index_cast %parallel_loop3A_152 : i32 to index
        %parallel_loop3A_156 = tpu.vector_load %arg7[%parallel_loop3A_154, %parallel_loop3A_155] {strides = array<i32>} : memref<4x4096xi32, #tpu.memory_space<vmem>>, vector<16xi32>,
        %parallel_loop3A_157 = tpu.vector_load_idx %arg5[%parallel_loop3A_156] : memref<32xf32, #tpu.memory_space<vmem>>[vector<16xi32>], vector<16xf32>,
        %parallel_loop3A_158 = arith.constant 0 : i32
        %parallel_loop3A_159 = arith.index_cast %parallel_loop3A_158 : i32 to index
        %parallel_loop3A_160 = arith.index_cast %parallel_loop3A_152 : i32 to index
        %parallel_loop3A_161 = tpu.vector_load %arg9[%parallel_loop3A_159, %parallel_loop3A_160] {strides = array<i32>} : memref<4x4096xf32, #tpu.memory_space<vmem>>, vector<16xf32>,
        tpu.vector_store %arg9[%parallel_loop3A_159, %parallel_loop3A_160], %parallel_loop3A_157 {strides = array<i32>} : memref<4x4096xf32, #tpu.memory_space<vmem>>, vector<16xf32>,
        %parallel_loop3A_162 = arith.constant 16 : i32
        %parallel_loop3A_163 = arith.addi %parallel_loop3A_152, %parallel_loop3A_162 : i32
        %parallel_loop3A_164 = arith.constant 0 : i32
        %parallel_loop3A_165 = arith.index_cast %parallel_loop3A_164 : i32 to index
        %parallel_loop3A_166 = arith.index_cast %parallel_loop3A_163 : i32 to index
        %parallel_loop3A_167 = tpu.vector_load %arg7[%parallel_loop3A_165, %parallel_loop3A_166] {strides = array<i32>} : memref<4x4096xi32, #tpu.memory_space<vmem>>, vector<16xi32>,
        %parallel_loop3A_168 = arith.constant 15 : i32
        %parallel_loop3A_169 = vector.broadcast %parallel_loop3A_168 : i32 to vector<16xi32>
        %parallel_loop3A_170 = arith.andi %parallel_loop3A_167, %parallel_loop3A_169 : vector<16xi32>
        %parallel_loop3A_171 = vector.shape_cast %parallel_loop3A_170 : vector<16xi32> to vector<16x1xi32>
        %parallel_loop3A_172 = vector.shape_cast %parallel_loop3A_171 : vector<16x1xi32> to vector<16xi32>
        %parallel_loop3A_173 = tpu.dynamic_gather %get3A_33[%parallel_loop3A_172] in [0] : vector<16xf32>, vector<16xi32> -> vector<16xf32>
        %parallel_loop3A_174 = vector.shape_cast %parallel_loop3A_170 : vector<16xi32> to vector<16x1xi32>
        %parallel_loop3A_175 = vector.shape_cast %parallel_loop3A_174 : vector<16x1xi32> to vector<16xi32>
        %parallel_loop3A_176 = tpu.dynamic_gather %get3A_35[%parallel_loop3A_175] in [0] : vector<16xf32>, vector<16xi32> -> vector<16xf32>
        %parallel_loop3A_177 = arith.constant 16 : i32
        %parallel_loop3A_178 = vector.broadcast %parallel_loop3A_177 : i32 to vector<16xi32>
        %parallel_loop3A_179 = arith.cmpi sge, %parallel_loop3A_167, %parallel_loop3A_178 : vector<16xi32>
        %parallel_loop3A_180 = arith.select %parallel_loop3A_179, %parallel_loop3A_176, %parallel_loop3A_173 : vector<16xi1>, vector<16xf32>
        %parallel_loop3A_181 = arith.constant 16 : i32
        %parallel_loop3A_182 = arith.addi %parallel_loop3A_152, %parallel_loop3A_181 : i32
        %parallel_loop3A_183 = arith.constant 0 : i32
        %parallel_loop3A_184 = arith.index_cast %parallel_loop3A_183 : i32 to index
        %parallel_loop3A_185 = arith.index_cast %parallel_loop3A_182 : i32 to index
        %parallel_loop3A_186 = tpu.vector_load %arg9[%parallel_loop3A_184, %parallel_loop3A_185] {strides = array<i32>} : memref<4x4096xf32, #tpu.memory_space<vmem>>, vector<16xf32>,
        tpu.vector_store %arg9[%parallel_loop3A_184, %parallel_loop3A_185], %parallel_loop3A_180 {strides = array<i32>} : memref<4x4096xf32, #tpu.memory_space<vmem>>, vector<16xf32>,
      } {sc.loop_unroll_factor = 4 : i64, sc.parallel_access}
      %parallel_loop3A_134 = arith.constant 0 : i32
      %parallel_loop3A_135 = arith.constant 4096 : i32
      %parallel_loop3A_136 = arith.constant 32 : i32
      scf.for %parallel_loop3A_152 = %parallel_loop3A_134 to %parallel_loop3A_135 step %parallel_loop3A_136  : i32 {
        %parallel_loop3A_153 = arith.constant 1 : i32
        %parallel_loop3A_154 = arith.index_cast %parallel_loop3A_153 : i32 to index
        %parallel_loop3A_155 = arith.index_cast %parallel_loop3A_152 : i32 to index
        %parallel_loop3A_156 = tpu.vector_load %arg7[%parallel_loop3A_154, %parallel_loop3A_155] {strides = array<i32>} : memref<4x4096xi32, #tpu.memory_space<vmem>>, vector<16xi32>,
        %parallel_loop3A_157 = tpu.vector_load_idx %arg5[%parallel_loop3A_156] : memref<32xf32, #tpu.memory_space<vmem>>[vector<16xi32>], vector<16xf32>,
        %parallel_loop3A_158 = arith.constant 1 : i32
        %parallel_loop3A_159 = arith.index_cast %parallel_loop3A_158 : i32 to index
        %parallel_loop3A_160 = arith.index_cast %parallel_loop3A_152 : i32 to index
        %parallel_loop3A_161 = tpu.vector_load %arg9[%parallel_loop3A_159, %parallel_loop3A_160] {strides = array<i32>} : memref<4x4096xf32, #tpu.memory_space<vmem>>, vector<16xf32>,
        tpu.vector_store %arg9[%parallel_loop3A_159, %parallel_loop3A_160], %parallel_loop3A_157 {strides = array<i32>} : memref<4x4096xf32, #tpu.memory_space<vmem>>, vector<16xf32>,
        %parallel_loop3A_162 = arith.constant 16 : i32
        %parallel_loop3A_163 = arith.addi %parallel_loop3A_152, %parallel_loop3A_162 : i32
        %parallel_loop3A_164 = arith.constant 1 : i32
        %parallel_loop3A_165 = arith.index_cast %parallel_loop3A_164 : i32 to index
        %parallel_loop3A_166 = arith.index_cast %parallel_loop3A_163 : i32 to index
        %parallel_loop3A_167 = tpu.vector_load %arg7[%parallel_loop3A_165, %parallel_loop3A_166] {strides = array<i32>} : memref<4x4096xi32, #tpu.memory_space<vmem>>, vector<16xi32>,
        %parallel_loop3A_168 = arith.constant 15 : i32
        %parallel_loop3A_169 = vector.broadcast %parallel_loop3A_168 : i32 to vector<16xi32>
        %parallel_loop3A_170 = arith.andi %parallel_loop3A_167, %parallel_loop3A_169 : vector<16xi32>
        %parallel_loop3A_171 = vector.shape_cast %parallel_loop3A_170 : vector<16xi32> to vector<16x1xi32>
        %parallel_loop3A_172 = vector.shape_cast %parallel_loop3A_171 : vector<16x1xi32> to vector<16xi32>
        %parallel_loop3A_173 = tpu.dynamic_gather %get3A_33[%parallel_loop3A_172] in [0] : vector<16xf32>, vector<16xi32> -> vector<16xf32>
        %parallel_loop3A_174 = vector.shape_cast %parallel_loop3A_170 : vector<16xi32> to vector<16x1xi32>
        %parallel_loop3A_175 = vector.shape_cast %parallel_loop3A_174 : vector<16x1xi32> to vector<16xi32>
        %parallel_loop3A_176 = tpu.dynamic_gather %get3A_35[%parallel_loop3A_175] in [0] : vector<16xf32>, vector<16xi32> -> vector<16xf32>
        %parallel_loop3A_177 = arith.constant 16 : i32
        %parallel_loop3A_178 = vector.broadcast %parallel_loop3A_177 : i32 to vector<16xi32>
        %parallel_loop3A_179 = arith.cmpi sge, %parallel_loop3A_167, %parallel_loop3A_178 : vector<16xi32>
        %parallel_loop3A_180 = arith.select %parallel_loop3A_179, %parallel_loop3A_176, %parallel_loop3A_173 : vector<16xi1>, vector<16xf32>
        %parallel_loop3A_181 = arith.constant 16 : i32
        %parallel_loop3A_182 = arith.addi %parallel_loop3A_152, %parallel_loop3A_181 : i32
        %parallel_loop3A_183 = arith.constant 1 : i32
        %parallel_loop3A_184 = arith.index_cast %parallel_loop3A_183 : i32 to index
        %parallel_loop3A_185 = arith.index_cast %parallel_loop3A_182 : i32 to index
        %parallel_loop3A_186 = tpu.vector_load %arg9[%parallel_loop3A_184, %parallel_loop3A_185] {strides = array<i32>} : memref<4x4096xf32, #tpu.memory_space<vmem>>, vector<16xf32>,
        tpu.vector_store %arg9[%parallel_loop3A_184, %parallel_loop3A_185], %parallel_loop3A_180 {strides = array<i32>} : memref<4x4096xf32, #tpu.memory_space<vmem>>, vector<16xf32>,
      } {sc.loop_unroll_factor = 4 : i64, sc.parallel_access}
      %parallel_loop3A_137 = arith.constant 0 : i32
      %parallel_loop3A_138 = arith.constant 4096 : i32
      %parallel_loop3A_139 = arith.constant 32 : i32
      scf.for %parallel_loop3A_152 = %parallel_loop3A_137 to %parallel_loop3A_138 step %parallel_loop3A_139  : i32 {
        %parallel_loop3A_153 = arith.constant 2 : i32
        %parallel_loop3A_154 = arith.index_cast %parallel_loop3A_153 : i32 to index
        %parallel_loop3A_155 = arith.index_cast %parallel_loop3A_152 : i32 to index
        %parallel_loop3A_156 = tpu.vector_load %arg7[%parallel_loop3A_154, %parallel_loop3A_155] {strides = array<i32>} : memref<4x4096xi32, #tpu.memory_space<vmem>>, vector<16xi32>,
        %parallel_loop3A_157 = tpu.vector_load_idx %arg5[%parallel_loop3A_156] : memref<32xf32, #tpu.memory_space<vmem>>[vector<16xi32>], vector<16xf32>,
        %parallel_loop3A_158 = arith.constant 2 : i32
        %parallel_loop3A_159 = arith.index_cast %parallel_loop3A_158 : i32 to index
        %parallel_loop3A_160 = arith.index_cast %parallel_loop3A_152 : i32 to index
        %parallel_loop3A_161 = tpu.vector_load %arg9[%parallel_loop3A_159, %parallel_loop3A_160] {strides = array<i32>} : memref<4x4096xf32, #tpu.memory_space<vmem>>, vector<16xf32>,
        tpu.vector_store %arg9[%parallel_loop3A_159, %parallel_loop3A_160], %parallel_loop3A_157 {strides = array<i32>} : memref<4x4096xf32, #tpu.memory_space<vmem>>, vector<16xf32>,
        %parallel_loop3A_162 = arith.constant 16 : i32
        %parallel_loop3A_163 = arith.addi %parallel_loop3A_152, %parallel_loop3A_162 : i32
        %parallel_loop3A_164 = arith.constant 2 : i32
        %parallel_loop3A_165 = arith.index_cast %parallel_loop3A_164 : i32 to index
        %parallel_loop3A_166 = arith.index_cast %parallel_loop3A_163 : i32 to index
        %parallel_loop3A_167 = tpu.vector_load %arg7[%parallel_loop3A_165, %parallel_loop3A_166] {strides = array<i32>} : memref<4x4096xi32, #tpu.memory_space<vmem>>, vector<16xi32>,
        %parallel_loop3A_168 = arith.constant 15 : i32
        %parallel_loop3A_169 = vector.broadcast %parallel_loop3A_168 : i32 to vector<16xi32>
        %parallel_loop3A_170 = arith.andi %parallel_loop3A_167, %parallel_loop3A_169 : vector<16xi32>
        %parallel_loop3A_171 = vector.shape_cast %parallel_loop3A_170 : vector<16xi32> to vector<16x1xi32>
        %parallel_loop3A_172 = vector.shape_cast %parallel_loop3A_171 : vector<16x1xi32> to vector<16xi32>
        %parallel_loop3A_173 = tpu.dynamic_gather %get3A_33[%parallel_loop3A_172] in [0] : vector<16xf32>, vector<16xi32> -> vector<16xf32>
        %parallel_loop3A_174 = vector.shape_cast %parallel_loop3A_170 : vector<16xi32> to vector<16x1xi32>
        %parallel_loop3A_175 = vector.shape_cast %parallel_loop3A_174 : vector<16x1xi32> to vector<16xi32>
        %parallel_loop3A_176 = tpu.dynamic_gather %get3A_35[%parallel_loop3A_175] in [0] : vector<16xf32>, vector<16xi32> -> vector<16xf32>
        %parallel_loop3A_177 = arith.constant 16 : i32
        %parallel_loop3A_178 = vector.broadcast %parallel_loop3A_177 : i32 to vector<16xi32>
        %parallel_loop3A_179 = arith.cmpi sge, %parallel_loop3A_167, %parallel_loop3A_178 : vector<16xi32>
        %parallel_loop3A_180 = arith.select %parallel_loop3A_179, %parallel_loop3A_176, %parallel_loop3A_173 : vector<16xi1>, vector<16xf32>
        %parallel_loop3A_181 = arith.constant 16 : i32
        %parallel_loop3A_182 = arith.addi %parallel_loop3A_152, %parallel_loop3A_181 : i32
        %parallel_loop3A_183 = arith.constant 2 : i32
        %parallel_loop3A_184 = arith.index_cast %parallel_loop3A_183 : i32 to index
        %parallel_loop3A_185 = arith.index_cast %parallel_loop3A_182 : i32 to index
        %parallel_loop3A_186 = tpu.vector_load %arg9[%parallel_loop3A_184, %parallel_loop3A_185] {strides = array<i32>} : memref<4x4096xf32, #tpu.memory_space<vmem>>, vector<16xf32>,
        tpu.vector_store %arg9[%parallel_loop3A_184, %parallel_loop3A_185], %parallel_loop3A_180 {strides = array<i32>} : memref<4x4096xf32, #tpu.memory_space<vmem>>, vector<16xf32>,
      } {sc.loop_unroll_factor = 4 : i64, sc.parallel_access}
      %parallel_loop3A_140 = arith.constant 0 : i32
      %parallel_loop3A_141 = arith.constant 4096 : i32
      %parallel_loop3A_142 = arith.constant 32 : i32
      scf.for %parallel_loop3A_152 = %parallel_loop3A_140 to %parallel_loop3A_141 step %parallel_loop3A_142  : i32 {
        %parallel_loop3A_153 = arith.constant 3 : i32
        %parallel_loop3A_154 = arith.index_cast %parallel_loop3A_153 : i32 to index
        %parallel_loop3A_155 = arith.index_cast %parallel_loop3A_152 : i32 to index
        %parallel_loop3A_156 = tpu.vector_load %arg7[%parallel_loop3A_154, %parallel_loop3A_155] {strides = array<i32>} : memref<4x4096xi32, #tpu.memory_space<vmem>>, vector<16xi32>,
        %parallel_loop3A_157 = tpu.vector_load_idx %arg5[%parallel_loop3A_156] : memref<32xf32, #tpu.memory_space<vmem>>[vector<16xi32>], vector<16xf32>,
        %parallel_loop3A_158 = arith.constant 3 : i32
        %parallel_loop3A_159 = arith.index_cast %parallel_loop3A_158 : i32 to index
        %parallel_loop3A_160 = arith.index_cast %parallel_loop3A_152 : i32 to index
        %parallel_loop3A_161 = tpu.vector_load %arg9[%parallel_loop3A_159, %parallel_loop3A_160] {strides = array<i32>} : memref<4x4096xf32, #tpu.memory_space<vmem>>, vector<16xf32>,
        tpu.vector_store %arg9[%parallel_loop3A_159, %parallel_loop3A_160], %parallel_loop3A_157 {strides = array<i32>} : memref<4x4096xf32, #tpu.memory_space<vmem>>, vector<16xf32>,
        %parallel_loop3A_162 = arith.constant 16 : i32
        %parallel_loop3A_163 = arith.addi %parallel_loop3A_152, %parallel_loop3A_162 : i32
        %parallel_loop3A_164 = arith.constant 3 : i32
        %parallel_loop3A_165 = arith.index_cast %parallel_loop3A_164 : i32 to index
        %parallel_loop3A_166 = arith.index_cast %parallel_loop3A_163 : i32 to index
        %parallel_loop3A_167 = tpu.vector_load %arg7[%parallel_loop3A_165, %parallel_loop3A_166] {strides = array<i32>} : memref<4x4096xi32, #tpu.memory_space<vmem>>, vector<16xi32>,
        %parallel_loop3A_168 = arith.constant 15 : i32
        %parallel_loop3A_169 = vector.broadcast %parallel_loop3A_168 : i32 to vector<16xi32>
        %parallel_loop3A_170 = arith.andi %parallel_loop3A_167, %parallel_loop3A_169 : vector<16xi32>
        %parallel_loop3A_171 = vector.shape_cast %parallel_loop3A_170 : vector<16xi32> to vector<16x1xi32>
        %parallel_loop3A_172 = vector.shape_cast %parallel_loop3A_171 : vector<16x1xi32> to vector<16xi32>
        %parallel_loop3A_173 = tpu.dynamic_gather %get3A_33[%parallel_loop3A_172] in [0] : vector<16xf32>, vector<16xi32> -> vector<16xf32>
        %parallel_loop3A_174 = vector.shape_cast %parallel_loop3A_170 : vector<16xi32> to vector<16x1xi32>
        %parallel_loop3A_175 = vector.shape_cast %parallel_loop3A_174 : vector<16x1xi32> to vector<16xi32>
        %parallel_loop3A_176 = tpu.dynamic_gather %get3A_35[%parallel_loop3A_175] in [0] : vector<16xf32>, vector<16xi32> -> vector<16xf32>
        %parallel_loop3A_177 = arith.constant 16 : i32
        %parallel_loop3A_178 = vector.broadcast %parallel_loop3A_177 : i32 to vector<16xi32>
        %parallel_loop3A_179 = arith.cmpi sge, %parallel_loop3A_167, %parallel_loop3A_178 : vector<16xi32>
        %parallel_loop3A_180 = arith.select %parallel_loop3A_179, %parallel_loop3A_176, %parallel_loop3A_173 : vector<16xi1>, vector<16xf32>
        %parallel_loop3A_181 = arith.constant 16 : i32
        %parallel_loop3A_182 = arith.addi %parallel_loop3A_152, %parallel_loop3A_181 : i32
        %parallel_loop3A_183 = arith.constant 3 : i32
        %parallel_loop3A_184 = arith.index_cast %parallel_loop3A_183 : i32 to index
        %parallel_loop3A_185 = arith.index_cast %parallel_loop3A_182 : i32 to index
        %parallel_loop3A_186 = tpu.vector_load %arg9[%parallel_loop3A_184, %parallel_loop3A_185] {strides = array<i32>} : memref<4x4096xf32, #tpu.memory_space<vmem>>, vector<16xf32>,
        tpu.vector_store %arg9[%parallel_loop3A_184, %parallel_loop3A_185], %parallel_loop3A_180 {strides = array<i32>} : memref<4x4096xf32, #tpu.memory_space<vmem>>, vector<16xf32>,
      } {sc.loop_unroll_factor = 4 : i64, sc.parallel_access}
      %mul3A_143 = arith.constant 4 : i32
      %mul3A_144 = arith.muli %add3A_109, %mul3A_143 : i32
      %add3A_145 = arith.addi %mul3A_32, %mul3A_144 : i32
      %dma_start3A_146 = arith.constant 0 : i32
      %dma_start3A_147 = tpu.memref_slice %arg4[%select_n3A, %add3A_145, %dma_start3A_146] : memref<2x4096x4096xf32, #tpu.memory_space<hbm>> -> memref<1x4x4096xf32, #tpu.memory_space<hbm>>
      %dma_start3A_148 = tpu.memref_squeeze %dma_start3A_147 : memref<1x4x4096xf32, #tpu.memory_space<hbm>> -> memref<4x4096xf32, #tpu.memory_space<hbm>>
      %dma_start3A_149 = arith.constant 0 : i32
      %dma_start3A_150 = tpu.memref_slice %arg4[%select_n3A, %add3A_145, %dma_start3A_149] : memref<2x4096x4096xf32, #tpu.memory_space<hbm>> -> memref<1x4x4096xf32, #tpu.memory_space<hbm>>
      %dma_start3A_151 = tpu.memref_squeeze %dma_start3A_150 : memref<1x4x4096xf32, #tpu.memory_space<hbm>> -> memref<4x4096xf32, #tpu.memory_space<hbm>>
      tpu.enqueue_dma source(%arg9 : memref<4x4096xf32, #tpu.memory_space<vmem>>) target(%dma_start3A_151 : memref<4x4096xf32, #tpu.memory_space<hbm>>) target_semaphore(%arg13 : memref<!tpu.dma_semaphore, #tpu.memory_space<semaphore_mem>>)
    }
    %scan3A_47 = arith.constant 32 : i32
    %add3A_48 = arith.constant 248 : i32
    %add3A_49 = arith.addi %mul3A_32, %add3A_48 : i32
    %dma_wait3A = arith.constant 0 : i32
    %dma_wait3A_50 = tpu.memref_slice %arg4[%select_n3A, %add3A_49, %dma_wait3A] : memref<2x4096x4096xf32, #tpu.memory_space<hbm>> -> memref<1x4x4096xf32, #tpu.memory_space<hbm>>
    %dma_wait3A_51 = tpu.memref_squeeze %dma_wait3A_50 : memref<1x4x4096xf32, #tpu.memory_space<hbm>> -> memref<4x4096xf32, #tpu.memory_space<hbm>>
    %dma_wait3A_52 = arith.constant 0 : i32
    %dma_wait3A_53 = tpu.memref_slice %arg4[%select_n3A, %add3A_49, %dma_wait3A_52] : memref<2x4096x4096xf32, #tpu.memory_space<hbm>> -> memref<1x4x4096xf32, #tpu.memory_space<hbm>>
    %dma_wait3A_54 = tpu.memref_squeeze %dma_wait3A_53 : memref<1x4x4096xf32, #tpu.memory_space<hbm>> -> memref<4x4096xf32, #tpu.memory_space<hbm>>
    tpu.wait_dma2 semaphore(%arg12 : memref<!tpu.dma_semaphore, #tpu.memory_space<semaphore_mem>>) src(%arg8 : memref<4x4096xf32, #tpu.memory_space<vmem>>) dst(%dma_wait3A_54 : memref<4x4096xf32, #tpu.memory_space<hbm>>)
    %add3A_55 = arith.constant 252 : i32
    %add3A_56 = arith.addi %mul3A_32, %add3A_55 : i32
    %dma_wait3A_57 = arith.constant 0 : i32
    %dma_wait3A_58 = tpu.memref_slice %arg4[%select_n3A, %add3A_56, %dma_wait3A_57] : memref<2x4096x4096xf32, #tpu.memory_space<hbm>> -> memref<1x4x4096xf32, #tpu.memory_space<hbm>>
    %dma_wait3A_59 = tpu.memref_squeeze %dma_wait3A_58 : memref<1x4x4096xf32, #tpu.memory_space<hbm>> -> memref<4x4096xf32, #tpu.memory_space<hbm>>
    %dma_wait3A_60 = arith.constant 0 : i32
    %dma_wait3A_61 = tpu.memref_slice %arg4[%select_n3A, %add3A_56, %dma_wait3A_60] : memref<2x4096x4096xf32, #tpu.memory_space<hbm>> -> memref<1x4x4096xf32, #tpu.memory_space<hbm>>
    %dma_wait3A_62 = tpu.memref_squeeze %dma_wait3A_61 : memref<1x4x4096xf32, #tpu.memory_space<hbm>> -> memref<4x4096xf32, #tpu.memory_space<hbm>>
    tpu.wait_dma2 semaphore(%arg13 : memref<!tpu.dma_semaphore, #tpu.memory_space<semaphore_mem>>) src(%arg9 : memref<4x4096xf32, #tpu.memory_space<vmem>>) dst(%dma_wait3A_62 : memref<4x4096xf32, #tpu.memory_space<hbm>>)
    return
  }
}

</mosaic_0001>

<sc_bundles>
// kernel: kernel.3.cloned.1.call-start
scs
__scs_entry_jumppad:
0x0: {  	(pc) =	sbr.rel $0x88, $3  }
0x1: {  	(tag) =	ssettag $0x0;
	lr =	simm.s32 $0x1  }
0x2: {  	[smem:$0x3F9F] =	sst lr;
	_ =	strace $0xD0000000  }
0x3: {  	_ = 	snop  }
0x4: {  	_ = 	snop  }
0x5: {  	_ = 	snop  }
0x6: {  	_ = 	snop  }
0x7: {  	_ = 	snop  }
__scs_overlays_trampoline_lowered:
0x8: {  	[smem:$0x3FAE] =	sst s0  }
0x9: {  	[smem:$0x3FAF] =	sst s1  }
0xa: {  	[smem:$0x3FB0] =	sst s2  }
0xb: {  	[smem:$0x3FB1] =	sst s3  }
0xc: {  	[smem:$0x3FB2] =	sst s4  }
0xd: {  	[smem:$0x3FB3] =	sst s5  }
0xe: {  	[smem:$0x3FB4] =	sst s6  }
0xf: {  	[smem:$0x3FB5] =	sst s7  }
0x10: {  	[smem:$0x3FB6] =	sst s8  }
0x11: {  	[smem:$0x3FB7] =	sst s9;
	s0 =	simm.s32 @!p0 $0x0  }
0x12: {  	s1 =	sld [smem:$0x3F9D];
	s0 =	simm.s32 @p0 $0x1  }
0x13: {  	[smem:$0x3FB8] =	sst s0;
	s0 =	simm.s32 @!p1 $0x0  }
0x14: {  	s2 =	sld [smem:$0x3F9C];
	s0 =	simm.s32 @p1 $0x1  }
0x15: {  	[smem:$0x3FB9] =	sst s0;
	s0 =	simm.s32 @!p2 $0x0  }
0x16: {  	s3 =	sld [smem:$0x3FDB];
	s0 =	simm.s32 @p2 $0x1  }
0x17: {  	s4 =	simm.s32 $0x1BF5;
	[smem:$0x3FBB] =	sst s0  }
0x18: {  	s0 =	sld [smem:$0x3F9E];
	_ =	swait.ge [sflag:s4], $0x0  }
0x19: {  	s7 =	sld [smem:$0x3F9F]  }
0x1a: {  	s8 =	sadd.s32 $0xFFFFE003, lr  }
0x1b: {  	s9 =	sadd.s32 $0xFFFFFEF7, lr;
	s5 =	simm.s32 $0xFFFFFFFF;
	p2 =	slt.u32 s8, $0xFFFFF086  }
0x1c: {  	p1 =	slt.u32 s9, $0xF7A;
	s5 =	simm.s32 @!p2 $0x0  }
0x1d: {  	s5 =	simm.s32 @p1 $0x1;
	p0 =	seq.s32 s7, s2  }
0x1e: {  	s7 =	smul.u32 @!p0 $0xF7A, s2;
	p2 =	seq.s32 @!p0 s5, $0x0  }
0x1f: {  	s9 =	smul.u32 $0xF7A, s1;
	s8 =	simm.s32 @!p0 $0x1BF5;
	p2 =	por !p2, p0  }
0x20: {  	[sflag:s8] =	ssyncset.s32 @!p0 $0xFFFFF086;
	s6 =	sadd.s32 @!p0 s3, s7;
	s7 =	simm.s32 @!p0 $0x108  }
0x21: {  	s3 =	sadd.s32 s3, s9;
	s6 =	sadd.s32 @!p0 $0x88, s6;
	s7 =	simm.s32 @p2 $0x1082  }
0x22: {  	[simem:s7], [sflag:s8] =	dma.local @!p0 [hbm:s6], $0xF7A  }
0x23: {  	s9 =	sor.u32 $0xD0000000, s2;
	s6 =	simm.s32 $0x108;
	_ =	swait.ge @!p0 [sflag:s8], $0x0  }
0x24: {  	s3 =	sadd.s32 $0x88, s3;
	s6 =	simm.s32 @!p1 $0x1082;
	[sflag:s4] =	ssyncset.s32 $0xFFFFF086  }
0x25: {  	[simem:s6], [sflag:s4] =	dma.local [hbm:s3], $0xF7A  }
0x26: {  	[smem:$0x3F9F] =	sst s1;
	(tag) =	ssettag s2;
	_ =	strace s9  }
0x27: {  	s1 =	sld [smem:$0x3FAF]  }
0x28: {  	s2 =	sld [smem:$0x3FB0]  }
0x29: {  	s4 =	sld [smem:$0x3FB2]  }
0x2a: {  	p0 =	seq.s32 s5, $0x0;
	s5 =	sld [smem:$0x3FB3]  }
0x2b: {  	s6 =	sld [smem:$0x3FB4]  }
0x2c: {  	s7 =	sld [smem:$0x3FB5]  }
0x2d: {  	s3 =	simm.s32 $0x108;
	s8 =	sld [smem:$0x3FB6]  }
0x2e: {  	s3 =	simm.s32 @!p0 $0x1082;
	s9 =	sld [smem:$0x3FB7]  }
0x2f: {  	lr =	sadd.s32 s0, s3;
	s0 =	sld [smem:$0x3FAE]  }
0x30: {  	s3 =	sld [smem:$0x3FB1]  }
0x31: {  	[smem:$0x3FBA] =	sst s10  }
0x32: {  	s10 =	sld [smem:$0x3FB8];
	_ =	sdelay $0x3  }
0x33: {  	p0 =	seq.s32 s10, $0x1;
	s10 =	sld [smem:$0x3FBA];
	_ =	sdelay $0x3  }
0x34: {  	[smem:$0x3FBA] =	sst s10  }
0x35: {  	s10 =	sld [smem:$0x3FB9];
	_ =	sdelay $0x3  }
0x36: {  	p1 =	seq.s32 s10, $0x1;
	s10 =	sld [smem:$0x3FBA];
	_ =	sdelay $0x3  }
0x37: {  	[smem:$0x3FBA] =	sst s10  }
0x38: {  	s10 =	sld [smem:$0x3FBB]  }
0x39: {  	_ = 	snop;
	(pc) =	sbr.ind lr, $3  }
0x3a: {  	_ = 	snop  }
0x3b: {  	_ = 	snop  }
0x3c: {  	p2 =	seq.s32 s10, $0x1;
	s10 =	sld [smem:$0x3FBA]  }
0x3d: {  	_ =	shalt  }
0x3e: {  	_ =	shalt  }
0x3f: {  	_ =	shalt  }
0x40: {  	_ =	shalt  }
0x41: {  	_ =	shalt  }
0x42: {  	_ =	shalt  }
0x43: {  	_ =	shalt  }
0x44: {  	_ =	shalt  }
0x45: {  	_ =	shalt  }
0x46: {  	_ =	shalt  }
0x47: {  	_ =	shalt  }
0x48: {  	_ =	shalt  }
0x49: {  	_ =	shalt  }
0x4a: {  	_ =	shalt  }
0x4b: {  	_ =	shalt  }
0x4c: {  	_ =	shalt  }
0x4d: {  	_ =	shalt  }
0x4e: {  	_ =	shalt  }
0x4f: {  	_ =	shalt  }
0x50: {  	_ =	shalt  }
0x51: {  	_ =	shalt  }
0x52: {  	_ =	shalt  }
0x53: {  	_ =	shalt  }
0x54: {  	_ =	shalt  }
0x55: {  	_ =	shalt  }
0x56: {  	_ =	shalt  }
0x57: {  	_ =	shalt  }
0x58: {  	_ =	shalt  }
0x59: {  	_ =	shalt  }
0x5a: {  	_ =	shalt  }
0x5b: {  	_ =	shalt  }
0x5c: {  	_ =	shalt  }
0x5d: {  	_ =	shalt  }
0x5e: {  	_ =	shalt  }
0x5f: {  	_ =	shalt  }
0x60: {  	_ =	shalt  }
0x61: {  	_ =	shalt  }
0x62: {  	_ =	shalt  }
0x63: {  	_ =	shalt  }
0x64: {  	_ =	shalt  }
0x65: {  	_ =	shalt  }
0x66: {  	_ =	shalt  }
0x67: {  	_ =	shalt  }
0x68: {  	_ =	shalt  }
0x69: {  	_ =	shalt  }
0x6a: {  	_ =	shalt  }
0x6b: {  	_ =	shalt  }
0x6c: {  	_ =	shalt  }
0x6d: {  	_ =	shalt  }
0x6e: {  	_ =	shalt  }
0x6f: {  	_ =	shalt  }
0x70: {  	_ =	shalt  }
0x71: {  	_ =	shalt  }
0x72: {  	_ =	shalt  }
0x73: {  	_ =	shalt  }
0x74: {  	_ =	shalt  }
0x75: {  	_ =	shalt  }
0x76: {  	_ =	shalt  }
0x77: {  	_ =	shalt  }
0x78: {  	_ =	shalt  }
0x79: {  	_ =	shalt  }
0x7a: {  	_ =	shalt  }
0x7b: {  	_ =	shalt  }
0x7c: {  	_ =	shalt  }
0x7d: {  	_ =	shalt  }
0x7e: {  	_ =	shalt  }
0x7f: {  	_ =	shalt  }
0x80: {  	_ =	shalt  }
0x81: {  	_ =	shalt  }
0x82: {  	_ =	shalt  }
0x83: {  	_ =	shalt  }
0x84: {  	_ =	shalt  }
0x85: {  	_ =	shalt  }
0x86: {  	_ =	shalt  }
0x87: {  	_ =	shalt  }
.Lfunc_end0:
.L_simem_size_0:
called_computation_lowered:
.L_overlay_start_0:
0x88: {  	s2 =	sld [smem:$0x3FD9]  }
0x89: {  	s3 =	sld [smem:$0x3FFE];
	_ =	sdelay $0x1  }
0x8a: {  	s1 =	srdreg.scid  }
0x8b: {  	s0 =	sand.u32 $0x1, s1  }
0x8c: {  	s18 =	sshll.u32 s0, $0xA;
	s2 =	sadd.s32 s3, s2  }
0x8d: {  	s2 =	sadd.s32 s2, s18  }
0x8e: {  	[smem:$0x3FC6] =	sst s2  }
0x8f: {  	_ = 	snop  }
0x90: {  	s2 =	sld [smem:$0x3FC9]  }
0x91: {  	s19 =	sld [smem:$0x3FC8]  }
0x92: {  	s4 =	sld [smem:$0x3FD0];
	(tm) =	ssettm $0x1  }
0x93: {  	s5 =	sld [smem:$0x3FFB];
	_ =	sdelay $0x3  }
0x94: {  	_ =	strace s5  }
0x95: {  	s5 =	sld [smem:$0x3FFC];
	_ =	sdelay $0x3  }
0x96: {  	_ =	strace s5  }
0x97: {  	s5 =	sld [smem:$0x3FFD];
	_ =	sdelay $0x3  }
0x98: {  	_ =	strace s5  }
0x99: {  	_ =	strace $0x8FFFFFFF  }
0x9a: {  	s20 =	sld [smem:$0x3FDB];
	_ =	sdelay $0x1  }
0x9b: {  	s6 =	simm.s32 $_scs_section_size  }
0x9c: {  	s7 =	simm.s32 $_size__tile_overlayer_lowered;
	s8 =	simm.s32 $_tile_overlayer_lowered  }
0x9d: {  	s23 =	simm.s32 $0x1BFF;
	s22 =	sshll.u32 s8, $0x1;
	s5 =	sadd.s32 s6, s20  }
0x9e: {  	s9 =	simm.s32 $0x0;
	s21 =	sshll.u32 s7, $0x1;
	s7 =	sadd.s32 s22, s5  }
0x9f: {  	[timem:s9], [sflag:s23] =	dma.local [hbm:s7], s21  }
0xa0: {  	_ =	swait.ge [sflag:s23], s21  }
0xa1: {  	s6 =	ssub.s32 $0x0, s21;
	[sflag:s23] =	ssyncset.done $0x0  }
0xa2: {  	[sflag:s23] =	ssyncadd.s32 s6;
	_ =	sdelay $0x1  }
0xa3: {  	s24 =	simm.s32 $0x1B8B  }
0xa4: {  	_ =	swait.ge [sflag:s24], $0x1  }
0xa5: {  	[sflag:s24] =	ssyncset.done $0x0  }
0xa6: {  	s25 =	simm.s32 $0x1B8E;
	[sflag:s24] =	ssyncadd.s32 $0xFFFFFFFF  }
0xa7: {  	s26 =	simm.s32 $execute0_lowered;
	[smem:$0x3FD2] =	sst s25  }
0xa8: {  	s6 =	sshll.u32 s26, $0x1;
	_ =	strace $0x80000046;
	[dreg:$0x1] =	wrdreg $0xFFFFFFFF  }
0xa9: {  	s28 =	simm.s32 $_size_execute0_lowered;
	s5 =	sadd.s32 s5, s6;
	[dreg:$0x0] =	wrdreg $0x0  }
0xaa: {  	s6 =	sshll.u32 s28, $0x1;
	[dreg:$0x2] =	wrdreg s5  }
0xab: {  	[dreg:$0x3] =	wrdreg s6  }
0xac: {  	[dreg:$0x4] =	wrdreg $0xC0  }
0xad: {  	_ =	task [dreg:s9], $0x5FFFF  }
0xae: {  	[dreg:$0x1] =	wrdreg $0xFFFFFFFF  }
0xaf: {  	[dreg:$0x0] =	wrdreg $0x60  }
0xb0: {  	[dreg:$0x2] =	wrdreg s2  }
0xb1: {  	[dreg:$0x3] =	wrdreg s19  }
0xb2: {  	[dreg:$0x4] =	wrdreg s4  }
0xb3: {  	[dreg:$0x5] =	wrdreg $0x9  }
0xb4: {  	_ =	task.clear_ibuf [dreg:s9], $0x6FFFF;
	_ =	strace $0x90000046  }
0xb5: {  	s29 =	simm.s32 $0x9;
	_ =	strace $0x80000048  }
0xb6: {  	_ =	swait.ge [sflag:s29], $0x1  }
0xb7: {  	[sflag:s29] =	ssyncadd.s32 $0xFFFFFFFF  }
0xb8: {  	_ =	strace $0x90000048  }
0xb9: {  	_ =	sfence  }
0xba: {  	s30 =	sld [smem:$0x0];
	_ =	sdelay $0x2  }
0xbb: {  	s31 =	sshll.u32 s1, $0xD;
	s1 =	sshrl.u32 s1, $0x2  }
0xbc: {  	s3 =	sand.u32 $0x4000, s31;
	s1 =	sadd.s32 s1, s30  }
0xbd: {  	s0 =	sor.u32 s3, s0;
	s1 =	sshll.u32 s1, $0x11  }
0xbe: {  	s0 =	sor.u32 s1, s0  }
0xbf: {  	s0 =	sadd.s32 $0x8F2B, s0  }
0xc0: {  	[sflag:s0] =	ssyncadd.remote.s32 $0x1  }
0xc1: {  	_ =	sfence.sel $0xFFFF  }
0xc2: {  	[dreg:$0x0] =	wrdreg $0xFFFFFFFF;
	(pc) =	sbr.abs _section_cstart, $3  }
0xc3: {  	[dreg:$0x1] =	wrdreg $0xFFFFFFFF  }
0xc4: {  	_ =	task.clear_ibuf [dreg:s9], $0x2FFFF;
	_ =	strace $0x9FFFFFFF  }
0xc5: {  	(tm) =	ssettm $0x7FFFFFFF  }
tec
execute0_lowered:
.L_overlay_start_1:
0x0: {  	(tag) =	ssettag $0x1  }
0x1: {  	s2 =	rddreg [dreg:$0x0];
	s3 =	stileid.u32  }
0x2: {  	s4 =	rddreg [dreg:$0x2];
	s0 =	srdreg.scid;
	s5 =	simm.s32 $0x0  }
0x3: {  	s10 =	simm.s32 $0x5;
	s11 =	simm.s32 $0x200;
	s12 =	simm.s32 $0x400  }
0x4: {  	s13 =	simm.s32 $0x80;
	s14 =	simm.s32 $0x4080;
	s15 =	simm.s32 $0x1  }
0x5: {  	s16 =	simm.s32 $0x8080;
	s17 =	simm.s32 $0x2;
	s18 =	simm.s32 $0x4  }
0x6: {  	s19 =	simm.s32 $0xC080;
	s20 =	simm.s32 $0x3;
	s1 =	sshll.u32 s3, $0x1  }
0x7: {  	s21 =	simm.s32 $0x0;
	s0 =	sand.u32 $0x1, s0;
	s1 =	sand.u32 $0xE, s1  }
.Ltmp0:
0x8: {  	s3 =	sshll.u32 s3, $0x15;
	s1 =	sor.u32 s0, s1;
	(pc) =	sbr.rel .LBB2_1-.Ltmp0, $4  }
0x9: {  	s3 =	sand.u32 $0x1000000, s3;
	s0 =	ssub.s32 $0x2, s0;
	s1 =	sshll.u32 s1, $0x14  }
0xa: {  	[smem:$0x7FF] =	sst s5;
	s7 =	sshrl.u32 s0, $0x1;
	s6 =	sor.u32 s3, s1  }
0xb: {  	_ =	strace $0x80000047;
	s0 =	ssub.s32 s0, s7;
	s1 =	sshrl.u32 s6, $0x3  }
0xc: {  	s8 =	sor.u32 $0x8000, s6;
	s9 =	smax.u32 s0, $0x1;
	s7 =	sadd.s32 s2, s1  }
.LBB2_47:
0xd: {  	s21 =	sadd.s32 $0x1, s21  }
0xe: {  	_ =	swait.ge [sflag:s20], $0x4000;
	p0 =	sne.s32 s21, s9  }
.Ltmp1:
0xf: {  	[sflag:s20] =	ssyncset.done $0x0;
	(pc) =	sbr.rel @!p0 .LBB2_48-.Ltmp1, $4  }
0x10: {  	[sflag:s20] =	ssyncadd.s32 $0xFFFFC000  }
0x11: {  	_ =	swait.ge [sflag:s18], $0x4000  }
0x12: {  	[sflag:s18] =	ssyncset.done $0x0  }
0x13: {  	[sflag:s18] =	ssyncadd.s32 $0xFFFFC000  }
.LBB2_1:
0x14: {  	s0 =	rddreg [dreg:$0x1]  }
0x15: {  	[tilespmem:s5], [sflag:$0x5] =	stream.linear.gather [hbm4b:s0+s5], $0x80, $0x38;
	[tilespmem:$0x10080] =	vst v63  }
0x16: {  	_ =	swait.ge [sflag:s10], $0x80  }
0x17: {  	[sflag:s10] =	ssyncset.done $0x0  }
0x18: {  	[sflag:s10] =	ssyncadd.s32 $0xFFFFFF80  }
0x19: {  	v0 =	vld [tilespmem:$0x0]  }
0x1a: {  	v1 =	vld [tilespmem:$0x10];
	_ =	sdelay $0x2  }
0x1b: {  	s22 =	simm.s32 $0x0  }
0x1c: {  	[tilespmem:s13], [sflag:$0x1] =	stream.strided.gather [hbm4b:s7+s11], $0x4000, s12, s11, $0x38;
	[tilespmem:$0x10080] =	vst v63  }
.LBB2_2:
0x1d: {  	s24 =	sshll.u32 s22, $0xF  }
0x1e: {  	s0 =	sor.u32 s24, s6  }
0x1f: {  	s25 =	sshrl.u32 s0, $0x3  }
0x20: {  	s23 =	sor.u32 $0x40, s25  }
0x21: {  	s1 =	sadd.s32 s2, s23  }
0x22: {  	[tilespmem:s14], [sflag:$0x2] =	stream.strided.gather [hbm4b:s1+s11], $0x4000, s12, s11, $0x38;
	[tilespmem:$0x10080] =	vst v63  }
0x23: {  	_ =	swait.ge [sflag:s15], $0x4000  }
0x24: {  	p0 =	seq.s32 s22, $0x0;
	[sflag:s15] =	ssyncset.done $0x0  }
0x25: {  	s0 =	simm.s32 @!p0 $0x3;
	[sflag:s15] =	ssyncadd.s32 $0xFFFFC000  }
0x26: {  	_ =	swait.ge @!p0 [sflag:s0], $0x4000  }
0x27: {  	[sflag:s0] =	ssyncset.done @!p0 $0x0  }
0x28: {  	s3 =	simm.s32 $0xC0;
	[sflag:s0] =	ssyncadd.s32 @!p0 $0xFFFFC000  }
0x29: {  	v2 =	vld [tilespmem:s3+$0x20]  }
0x2a: {  	v3 =	vld [tilespmem:s3+$0xFFFFFFE0]  }
0x2b: {  	v4 =	vld [tilespmem:s3+$0x0]  }
0x2c: {  	s30 =	simm.s32 $0x2C0;
	v5 =	vld [tilespmem:s3+$0xFFFFFFC0]  }
0x2d: {  	v6 =	vld [tilespmem:s30+$0x20]  }
0x2e: {  	v7 =	vld [tilespmem:s30+$0xFFFFFFE0]  }
0x2f: {  	v8 =	vld [tilespmem:s30+$0x0]  }
0x30: {  	s28 =	simm.s32 $0x4C0;
	v9 =	vld [tilespmem:s30+$0xFFFFFFC0]  }
0x31: {  	v10 =	vld [tilespmem:s28+$0x20]  }
0x32: {  	v2 =	vld.idx.msk [tilespmem:v2+s5+$0x0], $0xffff  }
0x33: {  	v3 =	vld.idx.msk [tilespmem:v3+s5+$0x0], $0xffff  }
0x34: {  	v4 =	vld.idx.msk [tilespmem:v4+s5+$0x0], $0xffff  }
0x35: {  	v13 =	vld [tilespmem:s28+$0x0]  }
0x36: {  	s26 =	simm.s32 $0x80C0;
	v6 =	vld.idx.msk [tilespmem:v6+s5+$0x0], $0xffff  }
0x37: {  	v7 =	vld.idx.msk [tilespmem:v7+s5+$0x0], $0xffff;
	[tilespmem:s26+$0x20] =	vst v2  }
0x38: {  	[tilespmem:s26+$0xFFFFFFE0] =	vst v3;
	v3 =	vld.idx.msk [tilespmem:v5+s5+$0x0], $0xffff  }
0x39: {  	[tilespmem:s26+$0x0] =	vst v4;
	v4 =	vld.idx.msk [tilespmem:v8+s5+$0x0], $0xffff  }
0x3a: {  	v2 =	vld [tilespmem:s3+$0x30]  }
0x3b: {  	v5 =	vld [tilespmem:s3+$0xFFFFFFF0]  }
0x3c: {  	v8 =	vld [tilespmem:s3+$0x10]  }
0x3d: {  	s29 =	simm.s32 $0x82C0;
	v9 =	vld.idx.msk [tilespmem:v9+s5+$0x0], $0xffff  }
0x3e: {  	v11 =	vld [tilespmem:s28+$0xFFFFFFE0];
	[tilespmem:s29+$0x20] =	vst v6  }
0x3f: {  	v14 =	vld [tilespmem:s30+$0x30]  }
0x40: {  	[tilespmem:s29+$0xFFFFFFE0] =	vst v7;
	v12 =	vand.u32 $0xF, v2;
	vm0 =	vgt.s32 v2, $0xF;
	v15 =	vand.u32 $0xF, v5  }
0x41: {  	[tilespmem:s26+$0xFFFFFFC0] =	vst v3;
	v2 =	vld [tilespmem:s28+$0xFFFFFFC0];
	v3 =	vand.u32 $0xF, v8;
	v6 =	vperm.xlane v0, v12;
	v12 =	vperm.xlane v1, v12  }
0x42: {  	[tilespmem:s29+$0xFFFFFFC0] =	vst v9;
	v17 =	vld [tilespmem:s3+$0xFFFFFFD0];
	vm1 =	vgt.s32 v8, $0xF;
	v7 =	vperm.xlane v0, v3;
	v63 =	vperm.xlane v1, v3  }
0x43: {  	[tilespmem:s29+$0x0] =	vst v4;
	v16 =	vperm.xlane v0, v15;
	v15 =	vperm.xlane v1, v15;
	v3 =	vld [tilespmem:s30+$0xFFFFFFF0];
	v6 =	vsel vm0, v12, v6  }
0x44: {  	v4 =	vand.u32 $0xF, v14;
	vm0 =	vgt.s32 v5, $0xF;
	[tilespmem:s26+$0x30] =	vst v6;
	v6 =	vsel vm1, v63, v7;
	v7 =	vld.idx.msk [tilespmem:v10+s5+$0x0], $0xffff  }
0x45: {  	v8 =	vperm.xlane v0, v4;
	v5 =	vsel vm0, v15, v16;
	v10 =	vperm.xlane v1, v4;
	v4 =	vld.idx.msk [tilespmem:v13+s5+$0x0], $0xffff  }
0x46: {  	vm0 =	vgt.s32 v14, $0xF;
	[tilespmem:s26+$0xFFFFFFF0] =	vst v5;
	v5 =	vld.idx.msk [tilespmem:v11+s5+$0x0], $0xffff  }
0x47: {  	s31 =	simm.s32 $0x82C0;
	s1 =	simm.s32 $0x6C0;
	s0 =	simm.s32 $0x100;
	[tilespmem:s26+$0x10] =	vst v6;
	v6 =	vld [tilespmem:s30+$0x10];
	v9 =	vand.u32 $0xF, v17;
	v8 =	vsel vm0, v10, v8;
	vm0 =	vgt.s32 v17, $0xF  }
.LBB2_3:
0x48: {  	v10 =	vld [tilespmem:s1+$0x20];
	s0 =	sadd.s32 $0x80, s0;
	v11 =	vand.u32 $0xF, v3;
	[tilespmem:s29+$0x30] =	vst v8;
	v8 =	vperm.xlane v0, v9;
	v9 =	vperm.xlane v1, v9  }
0x49: {  	vm1 =	vgt.s32 v3, $0xF;
	s29 =	sadd.s32 $0x200, s29;
	v12 =	vld [tilespmem:s1+$0xFFFFFFE0];
	p1 =	slt.u32 s0, $0xF80;
	v13 =	vperm.xlane v0, v11;
	v11 =	vperm.xlane v1, v11  }
0x4a: {  	v14 =	vld [tilespmem:s1+$0x0];
	[tilespmem:s29+$0x20] =	vst v7;
	v3 =	vsel vm0, v9, v8  }
0x4b: {  	[tilespmem:s29+$0xFFFFFFE0] =	vst v5;
	v8 =	vld [tilespmem:s28+$0x30];
	v5 =	vsel vm1, v11, v13  }
0x4c: {  	v9 =	vld [tilespmem:s1+$0xFFFFFFC0];
	[tilespmem:s29+$0x0] =	vst v4;
	v4 =	vand.u32 $0xF, v6;
	vm0 =	vgt.s32 v6, $0xF  }
0x4d: {  	v6 =	vld.idx.msk [tilespmem:v2+s5+$0x0], $0xffff;
	v2 =	vperm.xlane v0, v4;
	v4 =	vperm.xlane v1, v4;
	[tilespmem:s26+$0xFFFFFFD0] =	vst v3;
	s26 =	smov.u32 s31;
	s31 =	smov.u32 s29  }
0x4e: {  	v11 =	vld [tilespmem:s30+$0xFFFFFFD0];
	[tilespmem:s26+$0xFFFFFFF0] =	vst v5;
	s30 =	smov.u32 s28;
	s28 =	smov.u32 s1  }
.Ltmp2:
0x4f: {  	v3 =	vld [tilespmem:s30+$0xFFFFFFF0];
	v13 =	vsel vm0, v4, v2;
	(pc) =	sbr.rel @p1 .LBB2_3-.Ltmp2, $4  }
0x50: {  	v7 =	vld.idx.msk [tilespmem:v10+s5+$0x0], $0xffff;
	v4 =	vand.u32 $0xF, v8;
	[tilespmem:s26+$0x10] =	vst v13  }
0x51: {  	v5 =	vld.idx.msk [tilespmem:v12+s5+$0x0], $0xffff;
	v10 =	vperm.xlane v0, v4;
	v12 =	vperm.xlane v1, v4;
	v2 =	vmov v9  }
0x52: {  	vm0 =	vgt.s32 v8, $0xF;
	v4 =	vld.idx.msk [tilespmem:v14+s5+$0x0], $0xffff  }
0x53: {  	s1 =	sadd.s32 $0x200, s1;
	[tilespmem:s29+$0xFFFFFFC0] =	vst v6;
	v6 =	vld [tilespmem:s30+$0x10];
	v8 =	vsel vm0, v12, v10;
	v9 =	vand.u32 $0xF, v11;
	vm0 =	vgt.s32 v11, $0xF  }
0x54: {  	_ =	sdelay $0x2  }
0x55: {  	s0 =	sadd.s32 $0x200, s29  }
0x56: {  	v2 =	vld.idx.msk [tilespmem:v2+s5+$0x0], $0xffff;
	[tilespmem:s0+$0x20] =	vst v7  }
0x57: {  	v7 =	vld [tilespmem:s28+$0x30]  }
0x58: {  	v10 =	vand.u32 $0xF, v3;
	v11 =	vperm.xlane v0, v9;
	v9 =	vperm.xlane v1, v9;
	[tilespmem:s0+$0xFFFFFFE0] =	vst v5;
	v5 =	vld [tilespmem:s30+$0xFFFFFFD0]  }
0x59: {  	v12 =	vperm.xlane v0, v10;
	v10 =	vperm.xlane v1, v10;
	v14 =	vld [tilespmem:s28+$0xFFFFFFF0];
	v13 =	vand.u32 $0xF, v6  }
0x5a: {  	v15 =	vperm.xlane v0, v13;
	v13 =	vperm.xlane v1, v13  }
0x5b: {  	vm1 =	vgt.s32 v3, $0xF;
	v3 =	vsel vm0, v9, v11;
	[tilespmem:s0+$0x0] =	vst v4;
	vm0 =	vgt.s32 v6, $0xF  }
0x5c: {  	v4 =	vsel vm1, v10, v12;
	[tilespmem:s0+$0xFFFFFFC0] =	vst v2;
	v2 =	vld [tilespmem:s28+$0x10];
	v6 =	vsel vm0, v13, v15;
	v9 =	vand.u32 $0xF, v7  }
0x5d: {  	v57 =	vld [tilespmem:s28+$0xFFFFFFD0];
	v11 =	vand.u32 $0xF, v5;
	v10 =	vperm.xlane v0, v9;
	v9 =	vperm.xlane v1, v9  }
0x5e: {  	[tilespmem:s29+$0x30] =	vst v8;
	v8 =	vand.u32 $0xF, v14;
	v58 =	vperm.xlane v0, v11;
	v11 =	vperm.xlane v1, v11  }
0x5f: {  	[tilespmem:s26+$0xFFFFFFD0] =	vst v3;
	vm0 =	vgt.s32 v7, $0xF;
	v3 =	vperm.xlane v0, v8;
	v7 =	vperm.xlane v1, v8  }
0x60: {  	[tilespmem:s31+$0xFFFFFFF0] =	vst v4;
	vm1 =	vgt.s32 v14, $0xF;
	v4 =	vsel vm0, v9, v10;
	vm0 =	vgt.s32 v5, $0xF  }
0x61: {  	[tilespmem:s31+$0x10] =	vst v6;
	v6 =	vand.u32 $0xF, v2;
	v5 =	vsel vm0, v11, v58;
	v3 =	vsel vm1, v7, v3  }
0x62: {  	[tilespmem:s0+$0x30] =	vst v4;
	v4 =	vperm.xlane v0, v6;
	v6 =	vperm.xlane v1, v6;
	v7 =	vand.u32 $0xF, v57  }
0x63: {  	vm0 =	vgt.s32 v2, $0xF;
	[tilespmem:s31+$0xFFFFFFD0] =	vst v5;
	v2 =	vperm.xlane v0, v7;
	v5 =	vperm.xlane v1, v7  }
0x64: {  	[tilespmem:s0+$0xFFFFFFF0] =	vst v3;
	v3 =	vsel vm0, v6, v4;
	vm0 =	vgt.s32 v57, $0xF  }
0x65: {  	[tilespmem:s0+$0x10] =	vst v3;
	v2 =	vsel vm0, v5, v2  }
0x66: {  	s1 =	simm.s32 $0x170;
	[tilespmem:s0+$0xFFFFFFD0] =	vst v2  }
0x67: {  	v2 =	vld [tilespmem:s1+$0xFFFFFFF0]  }
0x68: {  	v3 =	vld [tilespmem:s1+$0xFFFFFFB0]  }
0x69: {  	v4 =	vld [tilespmem:s1+$0xFFFFFFD0]  }
0x6a: {  	s30 =	simm.s32 $0x370;
	v5 =	vld [tilespmem:s1+$0xFFFFFF90]  }
0x6b: {  	v6 =	vld [tilespmem:s30+$0xFFFFFFF0]  }
0x6c: {  	v7 =	vld [tilespmem:s30+$0xFFFFFFB0]  }
0x6d: {  	v8 =	vld [tilespmem:s30+$0xFFFFFFD0]  }
0x6e: {  	s28 =	simm.s32 $0x570;
	v9 =	vld [tilespmem:s30+$0xFFFFFF90]  }
0x6f: {  	v10 =	vld [tilespmem:s28+$0xFFFFFFF0]  }
0x70: {  	v2 =	vld.idx.msk [tilespmem:v2+s5+$0x0], $0xffff  }
0x71: {  	v3 =	vld.idx.msk [tilespmem:v3+s5+$0x0], $0xffff  }
0x72: {  	v4 =	vld.idx.msk [tilespmem:v4+s5+$0x0], $0xffff  }
0x73: {  	v60 =	vld [tilespmem:s28+$0xFFFFFFD0]  }
0x74: {  	s26 =	simm.s32 $0x8170;
	v6 =	vld.idx.msk [tilespmem:v6+s5+$0x0], $0xffff  }
0x75: {  	v7 =	vld.idx.msk [tilespmem:v7+s5+$0x0], $0xffff;
	[tilespmem:s26+$0xFFFFFFF0] =	vst v2  }
0x76: {  	[tilespmem:s26+$0xFFFFFFB0] =	vst v3;
	v3 =	vld.idx.msk [tilespmem:v5+s5+$0x0], $0xffff  }
0x77: {  	[tilespmem:s26+$0xFFFFFFD0] =	vst v4;
	v4 =	vld.idx.msk [tilespmem:v8+s5+$0x0], $0xffff  }
0x78: {  	v2 =	vld [tilespmem:s1+$0x0]  }
0x79: {  	v5 =	vld [tilespmem:s1+$0xFFFFFFC0]  }
0x7a: {  	v8 =	vld [tilespmem:s1+$0xFFFFFFE0]  }
0x7b: {  	s29 =	simm.s32 $0x8370;
	v9 =	vld.idx.msk [tilespmem:v9+s5+$0x0], $0xffff  }
0x7c: {  	v11 =	vld [tilespmem:s28+$0xFFFFFFB0];
	[tilespmem:s29+$0xFFFFFFF0] =	vst v6  }
0x7d: {  	v61 =	vld [tilespmem:s30+$0x0]  }
0x7e: {  	[tilespmem:s29+$0xFFFFFFB0] =	vst v7;
	v59 =	vand.u32 $0xF, v2;
	vm0 =	vgt.s32 v2, $0xF;
	v62 =	vand.u32 $0xF, v5  }
0x7f: {  	[tilespmem:s26+$0xFFFFFF90] =	vst v3;
	v2 =	vld [tilespmem:s28+$0xFFFFFF90];
	v3 =	vand.u32 $0xF, v8;
	v6 =	vperm.xlane v0, v59;
	v12 =	vperm.xlane v1, v59  }
0x80: {  	[tilespmem:s29+$0xFFFFFF90] =	vst v9;
	v17 =	vld [tilespmem:s1+$0xFFFFFFA0];
	vm1 =	vgt.s32 v8, $0xF;
	v7 =	vperm.xlane v0, v3;
	v63 =	vperm.xlane v1, v3  }
0x81: {  	[tilespmem:s29+$0xFFFFFFD0] =	vst v4;
	v16 =	vperm.xlane v0, v62;
	v15 =	vperm.xlane v1, v62;
	v3 =	vld [tilespmem:s30+$0xFFFFFFC0];
	v6 =	vsel vm0, v12, v6  }
0x82: {  	v4 =	vand.u32 $0xF, v61;
	vm0 =	vgt.s32 v5, $0xF;
	[tilespmem:s26+$0x0] =	vst v6;
	v6 =	vsel vm1, v63, v7;
	v7 =	vld.idx.msk [tilespmem:v10+s5+$0x0], $0xffff  }
0x83: {  	v8 =	vperm.xlane v0, v4;
	v5 =	vsel vm0, v15, v16;
	v10 =	vperm.xlane v1, v4;
	v4 =	vld.idx.msk [tilespmem:v60+s5+$0x0], $0xffff  }
0x84: {  	vm0 =	vgt.s32 v61, $0xF;
	[tilespmem:s26+$0xFFFFFFC0] =	vst v5;
	v5 =	vld.idx.msk [tilespmem:v11+s5+$0x0], $0xffff  }
0x85: {  	s31 =	simm.s32 $0x8370;
	s0 =	simm.s32 $0x100;
	s1 =	simm.s32 $0x770;
	[tilespmem:s26+$0xFFFFFFE0] =	vst v6;
	v6 =	vld [tilespmem:s30+$0xFFFFFFE0];
	v9 =	vand.u32 $0xF, v17;
	v8 =	vsel vm0, v10, v8;
	vm0 =	vgt.s32 v17, $0xF  }
.LBB2_5:
0x86: {  	v10 =	vld [tilespmem:s1+$0xFFFFFFF0];
	s0 =	sadd.s32 $0x80, s0;
	v11 =	vand.u32 $0xF, v3;
	[tilespmem:s29+$0x0] =	vst v8;
	v8 =	vperm.xlane v0, v9;
	v9 =	vperm.xlane v1, v9  }
0x87: {  	vm1 =	vgt.s32 v3, $0xF;
	s29 =	sadd.s32 $0x200, s29;
	v12 =	vld [tilespmem:s1+$0xFFFFFFB0];
	p1 =	slt.u32 s0, $0xF80;
	v13 =	vperm.xlane v0, v11;
	v11 =	vperm.xlane v1, v11  }
0x88: {  	v14 =	vld [tilespmem:s1+$0xFFFFFFD0];
	[tilespmem:s29+$0xFFFFFFF0] =	vst v7;
	v3 =	vsel vm0, v9, v8  }
0x89: {  	[tilespmem:s29+$0xFFFFFFB0] =	vst v5;
	v8 =	vld [tilespmem:s28+$0x0];
	v5 =	vsel vm1, v11, v13  }
0x8a: {  	v9 =	vld [tilespmem:s1+$0xFFFFFF90];
	[tilespmem:s29+$0xFFFFFFD0] =	vst v4;
	v4 =	vand.u32 $0xF, v6;
	vm0 =	vgt.s32 v6, $0xF  }
0x8b: {  	v6 =	vld.idx.msk [tilespmem:v2+s5+$0x0], $0xffff;
	v2 =	vperm.xlane v0, v4;
	v4 =	vperm.xlane v1, v4;
	[tilespmem:s26+$0xFFFFFFA0] =	vst v3;
	s26 =	smov.u32 s31;
	s31 =	smov.u32 s29  }
0x8c: {  	v11 =	vld [tilespmem:s30+$0xFFFFFFA0];
	[tilespmem:s26+$0xFFFFFFC0] =	vst v5;
	s30 =	smov.u32 s28;
	s28 =	smov.u32 s1  }
.Ltmp3:
0x8d: {  	v3 =	vld [tilespmem:s30+$0xFFFFFFC0];
	v13 =	vsel vm0, v4, v2;
	(pc) =	sbr.rel @p1 .LBB2_5-.Ltmp3, $4  }
0x8e: {  	v7 =	vld.idx.msk [tilespmem:v10+s5+$0x0], $0xffff;
	v4 =	vand.u32 $0xF, v8;
	[tilespmem:s26+$0xFFFFFFE0] =	vst v13  }
0x8f: {  	v5 =	vld.idx.msk [tilespmem:v12+s5+$0x0], $0xffff;
	v10 =	vperm.xlane v0, v4;
	v12 =	vperm.xlane v1, v4;
	v2 =	vmov v9  }
0x90: {  	vm0 =	vgt.s32 v8, $0xF;
	v4 =	vld.idx.msk [tilespmem:v14+s5+$0x0], $0xffff  }
0x91: {  	s1 =	sadd.s32 $0x200, s1;
	[tilespmem:s29+$0xFFFFFF90] =	vst v6;
	v6 =	vld [tilespmem:s30+$0xFFFFFFE0];
	v8 =	vsel vm0, v12, v10;
	v9 =	vand.u32 $0xF, v11;
	vm0 =	vgt.s32 v11, $0xF  }
0x92: {  	_ =	sdelay $0x2  }
0x93: {  	s1 =	sadd.s32 $0x200, s29;
	v10 =	vld [tilespmem:s30+$0xFFFFFFA0]  }
0x94: {  	v2 =	vld.idx.msk [tilespmem:v2+s5+$0x0], $0xffff;
	v11 =	vand.u32 $0xF, v3;
	v12 =	vperm.xlane v0, v9;
	v9 =	vperm.xlane v1, v9;
	[tilespmem:s1+$0xFFFFFFF0] =	vst v7  }
0x95: {  	v7 =	vld [tilespmem:s28+$0x0];
	[tilespmem:s1+$0xFFFFFFB0] =	vst v5;
	v5 =	vperm.xlane v0, v11;
	v11 =	vperm.xlane v1, v11  }
0x96: {  	vm10 =	vgt.s32 v3, $0xF;
	v14 =	vld [tilespmem:s28+$0xFFFFFFC0]  }
0x97: {  	v9 =	vsel vm0, v9, v12;
	v13 =	vand.u32 $0xF, v6;
	v3 =	vsel vm10, v11, v5  }
0x98: {  	[tilespmem:s1+$0xFFFFFFD0] =	vst v4;
	v15 =	vperm.xlane v0, v13;
	v13 =	vperm.xlane v1, v13;
	v11 =	vand.u32 $0xF, v10  }
0x99: {  	vm1 =	vgt.s32 v6, $0xF;
	[tilespmem:s1+$0xFFFFFF90] =	vst v2;
	v2 =	vld [tilespmem:s28+$0xFFFFFFE0];
	vm12 =	vgt.s32 v10, $0xF;
	v63 =	vperm.xlane v0, v11  }
0x9a: {  	v62 =	vld [tilespmem:s28+$0xFFFFFFA0];
	v11 =	vperm.xlane v1, v11;
	v4 =	vsel vm1, v13, v15;
	v5 =	vand.u32 $0xF, v7  }
0x9b: {  	[tilespmem:s29+$0x0] =	vst v8;
	v6 =	vperm.xlane v0, v5;
	v5 =	vperm.xlane v1, v5;
	v8 =	vand.u32 $0xF, v14  }
0x9c: {  	[tilespmem:s26+$0xFFFFFFA0] =	vst v9;
	vm11 =	vgt.s32 v7, $0xF;
	v7 =	vperm.xlane v0, v8;
	v8 =	vperm.xlane v1, v8  }
0x9d: {  	vm13 =	vgt.s32 v14, $0xF;
	[tilespmem:s31+$0xFFFFFFE0] =	vst v4;
	v4 =	vsel vm12, v11, v63  }
0x9e: {  	[tilespmem:s31+$0xFFFFFFC0] =	vst v3;
	v3 =	vsel vm11, v5, v6;
	v6 =	vand.u32 $0xF, v2;
	v5 =	vsel vm13, v8, v7  }
0x9f: {  	[tilespmem:s1+$0x0] =	vst v3;
	v3 =	vperm.xlane v0, v6;
	v6 =	vperm.xlane v1, v6;
	v7 =	vand.u32 $0xF, v62  }
0xa0: {  	[tilespmem:s31+$0xFFFFFFA0] =	vst v4;
	vm14 =	vgt.s32 v2, $0xF;
	v2 =	vperm.xlane v0, v7;
	v4 =	vperm.xlane v1, v7  }
0xa1: {  	vm15 =	vgt.s32 v62, $0xF;
	[tilespmem:s1+$0xFFFFFFC0] =	vst v5;
	v3 =	vsel vm14, v6, v3  }
0xa2: {  	[tilespmem:s1+$0xFFFFFFE0] =	vst v3;
	v2 =	vsel vm15, v4, v2  }
0xa3: {  	s0 =	simm.s32 $0x1F0;
	[tilespmem:s1+$0xFFFFFFA0] =	vst v2  }
0xa4: {  	v2 =	vld [tilespmem:s0+$0xFFFFFFF0]  }
0xa5: {  	v3 =	vld [tilespmem:s0+$0xFFFFFFB0]  }
0xa6: {  	v6 =	vld [tilespmem:s0+$0xFFFFFFD0];
	_ =	sdelay $0x2  }
0xa7: {  	p2 =	por $0x1, $0x1  }
.Ltmp4:
0xa8: {  	_ = 	snop;
	(pc) =	sbr.rel @!p2 .LBB2_7-.Ltmp4, $4  }
0xa9: {  	v8 =	vld [tilespmem:s0+$0xFFFFFF90]  }
0xaa: {  	v5 =	vld.idx.msk [tilespmem:v2+s5+$0x0], $0xffff  }
0xab: {  	s30 =	simm.s32 $0x3F0;
	v4 =	vld.idx.msk [tilespmem:v3+s5+$0x0], $0xffff  }
0xac: {  	p3 =	por $0x0, $0x0;
	p1 =	por $0x0, $0x0;
	s26 =	simm.s32 $0x81F0;
	v2 =	vld.idx.msk [tilespmem:v6+s5+$0x0], $0xffff  }
0xad: {  	v6 =	vld [tilespmem:s30+$0xFFFFFFF0]  }
0xae: {  	v7 =	vld [tilespmem:s30+$0xFFFFFFB0]  }
0xaf: {  	v10 =	vld [tilespmem:s30+$0xFFFFFFD0];
	[tilespmem:s26+$0xFFFFFFF0] =	vst v5  }
0xb0: {  	v11 =	vld [tilespmem:s0+$0x0];
	_ =	sdelay $0x1  }
0xb1: {  	v9 =	vld [tilespmem:s30+$0xFFFFFF90]  }
0xb2: {  	p4 =	por $0x1, $0x1;
	v8 =	vld.idx.msk [tilespmem:v8+s5+$0x0], $0xffff;
	[tilespmem:s26+$0xFFFFFFB0] =	vst v4  }
.Ltmp5:
0xb3: {  	v3 =	vld [tilespmem:s0+$0xFFFFFFC0];
	(pc) =	sbr.rel @!p4 .LBB2_9-.Ltmp5, $4  }
0xb4: {  	v5 =	vld.idx.msk [tilespmem:v6+s5+$0x0], $0xffff;
	v6 =	vand.u32 $0xF, v11  }
0xb5: {  	v4 =	vld.idx.msk [tilespmem:v7+s5+$0x0], $0xffff;
	v7 =	vperm.xlane v0, v6;
	v12 =	vperm.xlane v1, v6  }
0xb6: {  	[tilespmem:s26+$0xFFFFFFD0] =	vst v2;
	v2 =	vld.idx.msk [tilespmem:v10+s5+$0x0], $0xffff;
	vm0 =	vgt.s32 v11, $0xF  }
0xb7: {  	s28 =	simm.s32 $0x5F0;
	p3 =	por $0x1, $0x1;
	[tilespmem:s26+$0xFFFFFF90] =	vst v8;
	v6 =	vld [tilespmem:s0+$0xFFFFFFE0];
	v7 =	vsel vm0, v12, v7  }
0xb8: {  	v10 =	vld [tilespmem:s28+$0xFFFFFFF0]  }
0xb9: {  	v11 =	vld [tilespmem:s28+$0xFFFFFFB0];
	s29 =	simm.s32 $0x83F0  }
0xba: {  	v12 =	vld [tilespmem:s28+$0xFFFFFFD0];
	[tilespmem:s29+$0xFFFFFFF0] =	vst v5  }
0xbb: {  	v13 =	vld [tilespmem:s30+$0x0]  }
0xbc: {  	v8 =	vld [tilespmem:s28+$0xFFFFFF90];
	v5 =	vand.u32 $0xF, v3  }
0xbd: {  	v9 =	vld.idx.msk [tilespmem:v9+s5+$0x0], $0xffff;
	[tilespmem:s26+$0x0] =	vst v7;
	v14 =	vperm.xlane v0, v5;
	v5 =	vperm.xlane v1, v5  }
0xbe: {  	vm0 =	vgt.s32 v3, $0xF;
	v16 =	vld [tilespmem:s0+$0xFFFFFFA0];
	p5 =	por $0x1, $0x1;
	[tilespmem:s29+$0xFFFFFFB0] =	vst v4;
	v15 =	vand.u32 $0xF, v6;
	vm1 =	vgt.s32 v6, $0xF  }
.Ltmp6:
0xbf: {  	v3 =	vld [tilespmem:s30+$0xFFFFFFC0];
	[tilespmem:s29+$0xFFFFFFD0] =	vst v2;
	v6 =	vsel vm0, v5, v14;
	v4 =	vperm.xlane v0, v15;
	v15 =	vperm.xlane v1, v15;
	(pc) =	sbr.rel @!p5 .LBB2_11-.Ltmp6, $4  }
0xc0: {  	[tilespmem:s26+$0xFFFFFFC0] =	vst v6;
	v2 =	vand.u32 $0xF, v13;
	v5 =	vld.idx.msk [tilespmem:v10+s5+$0x0], $0xffff  }
0xc1: {  	v7 =	vsel vm1, v15, v4;
	v4 =	vld.idx.msk [tilespmem:v11+s5+$0x0], $0xffff;
	v10 =	vperm.xlane v0, v2;
	v11 =	vperm.xlane v1, v2  }
0xc2: {  	s0 =	simm.s32 $0x100;
	s3 =	simm.s32 $0x7F0;
	[tilespmem:s29+$0xFFFFFF90] =	vst v9;
	v6 =	vld [tilespmem:s30+$0xFFFFFFE0];
	vm0 =	vgt.s32 v13, $0xF  }
0xc3: {  	p4 =	por $0x1, $0x1;
	s31 =	simm.s32 $0x81F0;
	s1 =	simm.s32 $0x83F0;
	[tilespmem:s26+$0xFFFFFFE0] =	vst v7;
	v2 =	vld.idx.msk [tilespmem:v12+s5+$0x0], $0xffff;
	v7 =	vsel vm0, v11, v10;
	v10 =	vand.u32 $0xF, v16;
	vm0 =	vgt.s32 v16, $0xF  }
.LBB2_12:
0xc4: {  	v9 =	vld [tilespmem:s3+$0xFFFFFFF0];
	s0 =	sadd.s32 $0x80, s0;
	v11 =	vand.u32 $0xF, v3;
	[tilespmem:s29+$0x0] =	vst v7;
	v7 =	vperm.xlane v0, v10;
	v10 =	vperm.xlane v1, v10  }
0xc5: {  	vm1 =	vgt.s32 v3, $0xF;
	s29 =	sadd.s32 $0x200, s29;
	v12 =	vld [tilespmem:s3+$0xFFFFFFB0];
	p5 =	slt.u32 s0, $0xF80;
	v13 =	vperm.xlane v0, v11;
	v11 =	vperm.xlane v1, v11  }
0xc6: {  	v14 =	vld [tilespmem:s3+$0xFFFFFFD0];
	[tilespmem:s29+$0xFFFFFFF0] =	vst v5;
	v3 =	vsel vm0, v10, v7  }
0xc7: {  	[tilespmem:s29+$0xFFFFFFB0] =	vst v4;
	v7 =	vld [tilespmem:s28+$0x0];
	v4 =	vsel vm1, v11, v13  }
0xc8: {  	v10 =	vld [tilespmem:s3+$0xFFFFFF90];
	[tilespmem:s29+$0xFFFFFFD0] =	vst v2;
	v2 =	vand.u32 $0xF, v6;
	vm0 =	vgt.s32 v6, $0xF  }
0xc9: {  	v6 =	vld.idx.msk [tilespmem:v8+s5+$0x0], $0xffff;
	v5 =	vperm.xlane v0, v2;
	v2 =	vperm.xlane v1, v2;
	[tilespmem:s31+$0xFFFFFFA0] =	vst v3;
	s31 =	smov.u32 s1;
	s1 =	smov.u32 s29  }
0xca: {  	v11 =	vld [tilespmem:s30+$0xFFFFFFA0];
	[tilespmem:s31+$0xFFFFFFC0] =	vst v4;
	s30 =	smov.u32 s28;
	s28 =	smov.u32 s3  }
.Ltmp7:
0xcb: {  	v3 =	vld [tilespmem:s30+$0xFFFFFFC0];
	v2 =	vsel vm0, v2, v5;
	(pc) =	sbr.rel @p5 .LBB2_12-.Ltmp7, $4  }
0xcc: {  	v5 =	vld.idx.msk [tilespmem:v9+s5+$0x0], $0xffff;
	v13 =	vand.u32 $0xF, v7;
	[tilespmem:s31+$0xFFFFFFE0] =	vst v2  }
0xcd: {  	v4 =	vld.idx.msk [tilespmem:v12+s5+$0x0], $0xffff;
	v9 =	vperm.xlane v0, v13;
	v12 =	vperm.xlane v1, v13;
	v8 =	vmov v10  }
0xce: {  	vm0 =	vgt.s32 v7, $0xF;
	v2 =	vld.idx.msk [tilespmem:v14+s5+$0x0], $0xffff  }
0xcf: {  	s3 =	sadd.s32 $0x200, s3;
	[tilespmem:s29+$0xFFFFFF90] =	vst v6;
	v6 =	vld [tilespmem:s30+$0xFFFFFFE0];
	v7 =	vsel vm0, v12, v9;
	v10 =	vand.u32 $0xF, v11;
	vm0 =	vgt.s32 v11, $0xF  }
0xd0: {  	v9 =	vmov v8;
	s0 =	smov.u32 s30  }
.LBB2_14:
0xd1: {  	_ =	sdelay $0x2  }
0xd2: {  	s3 =	sadd.s32 @p3 $0x200, s29  }
0xd3: {  	v8 =	vld.idx.msk [tilespmem:v9+s5+$0x0], $0xffff;
	s26 =	smov.u32 @p3 s3  }
0xd4: {  	v12 =	vld @p3 [tilespmem:s0+$0xFFFFFFA0];
	[tilespmem:s26+$0xFFFFFFF0] =	vst v5  }
0xd5: {  	v9 =	vand.u32 @p3 $0xF, v3;
	v11 =	vperm.xlane @p4 v0, v10;
	v10 =	vperm.xlane @p4 v1, v10;
	v5 =	vld [tilespmem:s28+$0x0]  }
0xd6: {  	v13 =	vperm.xlane @p3 v0, v9;
	[tilespmem:s26+$0xFFFFFFB0] =	vst v4  }
0xd7: {  	v4 =	vperm.xlane @p3 v1, v9;
	v9 =	vsel @p4 vm0, v10, v11;
	v10 =	vand.u32 @p3 $0xF, v6;
	v11 =	vld [tilespmem:s28+$0xFFFFFFC0]  }
0xd8: {  	vm0 =	vgt.s32 @p3 v3, $0xF;
	v3 =	vperm.xlane @p3 v0, v10;
	v10 =	vperm.xlane @p3 v1, v10  }
0xd9: {  	[tilespmem:s26+$0xFFFFFFD0] =	vst v2;
	v4 =	vsel @p3 vm0, v4, v13;
	vm0 =	vgt.s32 @p3 v6, $0xF;
	vm1 =	vgt.s32 @p3 v12, $0xF  }
0xda: {  	[tilespmem:s26+$0xFFFFFF90] =	vst v8;
	v8 =	vld [tilespmem:s28+$0xFFFFFFE0];
	v3 =	vsel @p3 vm0, v10, v3;
	v10 =	vand.u32 @p3 $0xF, v12;
	v2 =	vand.u32 $0xF, v5  }
0xdb: {  	vm0 =	vgt.s32 v5, $0xF;
	v5 =	vpsel p3, v10, v0;
	v10 =	vld [tilespmem:s28+$0xFFFFFFA0];
	v6 =	vperm.xlane v0, v2  }
0xdc: {  	[tilespmem:s29+$0x0] =	vst @p3 v7;
	v7 =	vand.u32 $0xF, v11;
	v2 =	vperm.xlane v1, v2;
	v13 =	vperm.xlane @p3 v0, v5  }
0xdd: {  	s0 =	smov.u32 @p3 s1;
	[tilespmem:s31+$0xFFFFFFA0] =	vst @p4 v9;
	vm13 =	vgt.s32 v11, $0xF;
	v5 =	vperm.xlane @p3 v1, v5;
	v9 =	vperm.xlane v0, v7  }
0xde: {  	[tilespmem:s0+$0xFFFFFFC0] =	vst @p3 v4;
	v7 =	vperm.xlane v1, v7;
	v2 =	vsel vm0, v2, v6;
	vm0 =	vmmov @p3 vm1  }
0xdf: {  	[tilespmem:s0+$0xFFFFFFE0] =	vst @p3 v3;
	vm14 =	vgt.s32 v8, $0xF;
	v3 =	vsel @p3 vm0, v5, v13;
	v5 =	vand.u32 $0xF, v8  }
0xe0: {  	s0 =	smov.u32 @p3 s0;
	[tilespmem:s26+$0x0] =	vst v2;
	v2 =	vperm.xlane v0, v5;
	v5 =	vperm.xlane v1, v5;
	v6 =	vand.u32 $0xF, v10  }
0xe1: {  	v4 =	vsel vm13, v7, v9;
	[tilespmem:s0+$0xFFFFFFA0] =	vst @p3 v3;
	v3 =	vperm.xlane v0, v6;
	v6 =	vperm.xlane v1, v6  }
0xe2: {  	[tilespmem:s26+$0xFFFFFFC0] =	vst v4;
	vm15 =	vgt.s32 v10, $0xF;
	v2 =	vsel vm14, v5, v2  }
0xe3: {  	[tilespmem:s26+$0xFFFFFFE0] =	vst v2;
	v2 =	vsel vm15, v6, v3  }
0xe4: {  	s0 =	simm.s32 $0x270;
	[tilespmem:s26+$0xFFFFFFA0] =	vst v2  }
0xe5: {  	v2 =	vld [tilespmem:s0+$0xFFFFFFF0]  }
0xe6: {  	v3 =	vld [tilespmem:s0+$0xFFFFFFB0]  }
0xe7: {  	v6 =	vld [tilespmem:s0+$0xFFFFFFD0];
	_ =	sdelay $0x3  }
.Ltmp8:
0xe8: {  	_ = 	snop;
	(pc) =	sbr.rel @!p2 .LBB2_15-.Ltmp8, $4  }
0xe9: {  	v8 =	vld [tilespmem:s0+$0xFFFFFF90]  }
0xea: {  	v5 =	vld.idx.msk [tilespmem:v2+s5+$0x0], $0xffff  }
0xeb: {  	v4 =	vld.idx.msk [tilespmem:v3+s5+$0x0], $0xffff  }
0xec: {  	s30 =	simm.s32 $0x470;
	s26 =	simm.s32 $0x8270;
	v2 =	vld.idx.msk [tilespmem:v6+s5+$0x0], $0xffff  }
0xed: {  	v6 =	vld [tilespmem:s30+$0xFFFFFFF0]  }
0xee: {  	v7 =	vld [tilespmem:s30+$0xFFFFFFB0]  }
0xef: {  	v10 =	vld [tilespmem:s30+$0xFFFFFFD0];
	[tilespmem:s26+$0xFFFFFFF0] =	vst v5  }
0xf0: {  	v11 =	vld [tilespmem:s0+$0x0];
	_ =	sdelay $0x1  }
0xf1: {  	v9 =	vld [tilespmem:s30+$0xFFFFFF90]  }
0xf2: {  	p3 =	por $0x1, $0x1;
	v8 =	vld.idx.msk [tilespmem:v8+s5+$0x0], $0xffff;
	[tilespmem:s26+$0xFFFFFFB0] =	vst v4  }
.Ltmp9:
0xf3: {  	v3 =	vld [tilespmem:s0+$0xFFFFFFC0];
	(pc) =	sbr.rel @!p3 .LBB2_17-.Ltmp9, $4  }
0xf4: {  	v5 =	vld.idx.msk [tilespmem:v6+s5+$0x0], $0xffff;
	v6 =	vand.u32 $0xF, v11  }
0xf5: {  	v4 =	vld.idx.msk [tilespmem:v7+s5+$0x0], $0xffff;
	v7 =	vperm.xlane v0, v6;
	v12 =	vperm.xlane v1, v6  }
0xf6: {  	[tilespmem:s26+$0xFFFFFFD0] =	vst v2;
	v2 =	vld.idx.msk [tilespmem:v10+s5+$0x0], $0xffff;
	vm0 =	vgt.s32 v11, $0xF  }
0xf7: {  	s28 =	simm.s32 $0x670;
	p2 =	por $0x1, $0x1;
	[tilespmem:s26+$0xFFFFFF90] =	vst v8;
	v6 =	vld [tilespmem:s0+$0xFFFFFFE0];
	v7 =	vsel vm0, v12, v7  }
0xf8: {  	v10 =	vld [tilespmem:s28+$0xFFFFFFF0]  }
0xf9: {  	v11 =	vld [tilespmem:s28+$0xFFFFFFB0];
	s29 =	simm.s32 $0x8470  }
0xfa: {  	v12 =	vld [tilespmem:s28+$0xFFFFFFD0];
	[tilespmem:s29+$0xFFFFFFF0] =	vst v5  }
0xfb: {  	v13 =	vld [tilespmem:s30+$0x0]  }
0xfc: {  	v8 =	vld [tilespmem:s28+$0xFFFFFF90];
	v5 =	vand.u32 $0xF, v3  }
0xfd: {  	v9 =	vld.idx.msk [tilespmem:v9+s5+$0x0], $0xffff;
	[tilespmem:s26+$0x0] =	vst v7;
	v14 =	vperm.xlane v0, v5;
	v5 =	vperm.xlane v1, v5  }
0xfe: {  	vm0 =	vgt.s32 v3, $0xF;
	v16 =	vld [tilespmem:s0+$0xFFFFFFA0];
	p3 =	por $0x1, $0x1;
	[tilespmem:s29+$0xFFFFFFB0] =	vst v4;
	v15 =	vand.u32 $0xF, v6;
	vm1 =	vgt.s32 v6, $0xF  }
.Ltmp10:
0xff: {  	v3 =	vld [tilespmem:s30+$0xFFFFFFC0];
	[tilespmem:s29+$0xFFFFFFD0] =	vst v2;
	v6 =	vsel vm0, v5, v14;
	v4 =	vperm.xlane v0, v15;
	v15 =	vperm.xlane v1, v15;
	(pc) =	sbr.rel @!p3 .LBB2_19-.Ltmp10, $4  }
0x100: {  	[tilespmem:s26+$0xFFFFFFC0] =	vst v6;
	v2 =	vand.u32 $0xF, v13;
	v5 =	vld.idx.msk [tilespmem:v10+s5+$0x0], $0xffff  }
0x101: {  	v7 =	vsel vm1, v15, v4;
	v4 =	vld.idx.msk [tilespmem:v11+s5+$0x0], $0xffff;
	v10 =	vperm.xlane v0, v2;
	v11 =	vperm.xlane v1, v2  }
0x102: {  	s0 =	simm.s32 $0x100;
	s3 =	simm.s32 $0x870;
	[tilespmem:s29+$0xFFFFFF90] =	vst v9;
	v6 =	vld [tilespmem:s30+$0xFFFFFFE0];
	vm0 =	vgt.s32 v13, $0xF  }
0x103: {  	p1 =	por $0x1, $0x1;
	s31 =	simm.s32 $0x8270;
	s1 =	simm.s32 $0x8470;
	[tilespmem:s26+$0xFFFFFFE0] =	vst v7;
	v2 =	vld.idx.msk [tilespmem:v12+s5+$0x0], $0xffff;
	v7 =	vsel vm0, v11, v10;
	v10 =	vand.u32 $0xF, v16;
	vm0 =	vgt.s32 v16, $0xF  }
.LBB2_20:
0x104: {  	v9 =	vld [tilespmem:s3+$0xFFFFFFF0];
	s0 =	sadd.s32 $0x80, s0;
	v11 =	vand.u32 $0xF, v3;
	[tilespmem:s29+$0x0] =	vst v7;
	v7 =	vperm.xlane v0, v10;
	v10 =	vperm.xlane v1, v10  }
0x105: {  	vm1 =	vgt.s32 v3, $0xF;
	s29 =	sadd.s32 $0x200, s29;
	v12 =	vld [tilespmem:s3+$0xFFFFFFB0];
	p3 =	slt.u32 s0, $0xF80;
	v13 =	vperm.xlane v0, v11;
	v11 =	vperm.xlane v1, v11  }
0x106: {  	v14 =	vld [tilespmem:s3+$0xFFFFFFD0];
	[tilespmem:s29+$0xFFFFFFF0] =	vst v5;
	v3 =	vsel vm0, v10, v7  }
0x107: {  	[tilespmem:s29+$0xFFFFFFB0] =	vst v4;
	v7 =	vld [tilespmem:s28+$0x0];
	v4 =	vsel vm1, v11, v13  }
0x108: {  	v10 =	vld [tilespmem:s3+$0xFFFFFF90];
	[tilespmem:s29+$0xFFFFFFD0] =	vst v2;
	v2 =	vand.u32 $0xF, v6;
	vm0 =	vgt.s32 v6, $0xF  }
0x109: {  	v6 =	vld.idx.msk [tilespmem:v8+s5+$0x0], $0xffff;
	v5 =	vperm.xlane v0, v2;
	v2 =	vperm.xlane v1, v2;
	[tilespmem:s31+$0xFFFFFFA0] =	vst v3;
	s31 =	smov.u32 s1;
	s1 =	smov.u32 s29  }
0x10a: {  	v11 =	vld [tilespmem:s30+$0xFFFFFFA0];
	[tilespmem:s31+$0xFFFFFFC0] =	vst v4;
	s30 =	smov.u32 s28;
	s28 =	smov.u32 s3  }
.Ltmp11:
0x10b: {  	v3 =	vld [tilespmem:s30+$0xFFFFFFC0];
	v2 =	vsel vm0, v2, v5;
	(pc) =	sbr.rel @p3 .LBB2_20-.Ltmp11, $4  }
0x10c: {  	v5 =	vld.idx.msk [tilespmem:v9+s5+$0x0], $0xffff;
	v13 =	vand.u32 $0xF, v7;
	[tilespmem:s31+$0xFFFFFFE0] =	vst v2  }
0x10d: {  	v4 =	vld.idx.msk [tilespmem:v12+s5+$0x0], $0xffff;
	v9 =	vperm.xlane v0, v13;
	v12 =	vperm.xlane v1, v13;
	v8 =	vmov v10  }
0x10e: {  	vm0 =	vgt.s32 v7, $0xF;
	v2 =	vld.idx.msk [tilespmem:v14+s5+$0x0], $0xffff  }
0x10f: {  	s3 =	sadd.s32 $0x200, s3;
	[tilespmem:s29+$0xFFFFFF90] =	vst v6;
	v6 =	vld [tilespmem:s30+$0xFFFFFFE0];
	v7 =	vsel vm0, v12, v9;
	v10 =	vand.u32 $0xF, v11;
	vm0 =	vgt.s32 v11, $0xF  }
0x110: {  	v9 =	vmov v8;
	s0 =	smov.u32 s30  }
.LBB2_22:
0x111: {  	_ =	sdelay $0x2  }
0x112: {  	s3 =	sadd.s32 @p2 $0x200, s29  }
0x113: {  	v8 =	vld.idx.msk [tilespmem:v9+s5+$0x0], $0xffff;
	s26 =	smov.u32 @p2 s3  }
0x114: {  	v12 =	vld @p2 [tilespmem:s0+$0xFFFFFFA0];
	[tilespmem:s26+$0xFFFFFFF0] =	vst v5  }
0x115: {  	v9 =	vand.u32 @p2 $0xF, v3;
	v11 =	vperm.xlane @p1 v0, v10;
	v10 =	vperm.xlane @p1 v1, v10;
	[tilespmem:s26+$0xFFFFFFB0] =	vst v4;
	v5 =	vld [tilespmem:s28+$0x0]  }
0x116: {  	v13 =	vperm.xlane @p2 v0, v9;
	v55 =	vld [tilespmem:s28+$0xFFFFFFC0]  }
0x117: {  	v4 =	vperm.xlane @p2 v1, v9;
	v9 =	vsel @p1 vm0, v10, v11;
	[tilespmem:s26+$0xFFFFFFD0] =	vst v2;
	v10 =	vand.u32 @p2 $0xF, v6  }
0x118: {  	vm0 =	vgt.s32 @p2 v3, $0xF;
	v57 =	vld [tilespmem:s28+$0xFFFFFFE0];
	v3 =	vperm.xlane @p2 v0, v10;
	v10 =	vperm.xlane @p2 v1, v10  }
0x119: {  	v4 =	vsel @p2 vm0, v4, v13;
	vm0 =	vgt.s32 @p2 v6, $0xF;
	[tilespmem:s26+$0xFFFFFF90] =	vst v8;
	vm1 =	vgt.s32 @p2 v12, $0xF  }
0x11a: {  	v3 =	vsel @p2 vm0, v10, v3;
	v10 =	vand.u32 @p2 $0xF, v12;
	v58 =	vld [tilespmem:s28+$0xFFFFFFA0];
	v2 =	vand.u32 $0xF, v5  }
0x11b: {  	vm0 =	vgt.s32 v5, $0xF;
	v5 =	vpsel p2, v10, v0;
	v59 =	vand.u32 $0xF, v55  }
0x11c: {  	[tilespmem:s29+$0x0] =	vst @p2 v7;
	vm13 =	vgt.s32 v55, $0xF;
	v56 =	vperm.xlane v0, v2;
	v2 =	vperm.xlane v1, v2  }
0x11d: {  	s0 =	smov.u32 @p2 s1;
	[tilespmem:s31+$0xFFFFFFA0] =	vst @p1 v9;
	v62 =	vand.u32 $0xF, v57;
	v13 =	vperm.xlane @p2 v0, v5;
	v5 =	vperm.xlane @p2 v1, v5  }
0x11e: {  	[tilespmem:s0+$0xFFFFFFC0] =	vst @p2 v4;
	vm14 =	vgt.s32 v57, $0xF;
	v60 =	vperm.xlane v0, v59;
	v7 =	vperm.xlane v1, v59  }
0x11f: {  	[tilespmem:s0+$0xFFFFFFE0] =	vst @p2 v3;
	v2 =	vsel vm0, v2, v56;
	vm0 =	vmmov @p2 vm1;
	v63 =	vand.u32 $0xF, v58  }
0x120: {  	p1 =	sne.s32 s22, $0x1F;
	s0 =	smov.u32 @p2 s0;
	v3 =	vsel @p2 vm0, v5, v13;
	[tilespmem:s26+$0x0] =	vst v2;
	v2 =	vperm.xlane v0, v62;
	v5 =	vperm.xlane v1, v62  }
.Ltmp12:
0x121: {  	v61 =	vsel vm13, v7, v60;
	v6 =	vperm.xlane v1, v63;
	[tilespmem:s0+$0xFFFFFFA0] =	vst @p2 v3;
	v3 =	vperm.xlane v0, v63;
	(pc) =	sbr.rel @p1 .LBB2_24-.Ltmp12, $4  }
0x122: {  	vm15 =	vgt.s32 v58, $0xF;
	[tilespmem:s26+$0xFFFFFFC0] =	vst v61;
	v2 =	vsel vm14, v5, v2  }
0x123: {  	[tilespmem:s26+$0xFFFFFFE0] =	vst v2;
	v2 =	vsel vm15, v6, v3  }
0x124: {  	s31 =	sadd.s32 s4, s25;
	[tilespmem:s26+$0xFFFFFFA0] =	vst v2  }
0x125: {  	[hbm4b:s31+s11] =	stream.strided.scatter [tilespmem:s16], [sflag:$0x3], $0x4000, s12, s11, $0x38;
	[tilespmem:$0x10080] =	vst v63  }
.Ltmp13:
0x126: {  	(pc) =	sbr.rel .LBB2_25-.Ltmp13, $4  }
0x127: {  	_ = 	snop  }
0x128: {  	_ =	swait.ge [sflag:s17], $0x4000  }
0x129: {  	[sflag:s17] =	ssyncset.done $0x0  }
0x12a: {  	[sflag:s17] =	ssyncadd.s32 $0xFFFFC000  }
.LBB2_24:
0x12b: {  	s0 =	sadd.s32 s24, s8  }
0x12c: {  	s0 =	sshrl.u32 s0, $0x3  }
.Ltmp14:
0x12d: {  	s0 =	sadd.s32 s2, s0;
	(pc) =	sbr.rel @p0 .LBB2_26-.Ltmp14, $4  }
0x12e: {  	[tilespmem:s13], [sflag:$0x1] =	stream.strided.gather [hbm4b:s0+s11], $0x4000, s12, s11, $0x38;
	[tilespmem:$0x10080] =	vst v63  }
0x12f: {  	_ =	swait.ge [sflag:s17], $0x4000  }
0x130: {  	[sflag:s17] =	ssyncset.done $0x0  }
0x131: {  	[sflag:s17] =	ssyncadd.s32 $0xFFFFC000  }
.LBB2_25:
0x132: {  	_ =	swait.ge [sflag:s18], $0x4000  }
0x133: {  	[sflag:s18] =	ssyncset.done $0x0  }
0x134: {  	[sflag:s18] =	ssyncadd.s32 $0xFFFFC000  }
.LBB2_26:
0x135: {  	s0 =	simm.s32 $0x40C0  }
0x136: {  	v2 =	vld [tilespmem:s0+$0x20]  }
0x137: {  	v3 =	vld [tilespmem:s0+$0xFFFFFFE0]  }
0x138: {  	v4 =	vld [tilespmem:s0+$0x0]  }
0x139: {  	s28 =	simm.s32 $0x42C0;
	v5 =	vld [tilespmem:s0+$0xFFFFFFC0]  }
0x13a: {  	v6 =	vld [tilespmem:s28+$0x20]  }
0x13b: {  	v7 =	vld [tilespmem:s28+$0xFFFFFFE0]  }
0x13c: {  	v8 =	vld [tilespmem:s28+$0x0]  }
0x13d: {  	s25 =	simm.s32 $0x44C0;
	v9 =	vld [tilespmem:s28+$0xFFFFFFC0]  }
0x13e: {  	v10 =	vld [tilespmem:s25+$0x20]  }
0x13f: {  	v2 =	vld.idx.msk [tilespmem:v2+s5+$0x0], $0xffff  }
0x140: {  	v3 =	vld.idx.msk [tilespmem:v3+s5+$0x0], $0xffff  }
0x141: {  	v4 =	vld.idx.msk [tilespmem:v4+s5+$0x0], $0xffff  }
0x142: {  	v13 =	vld [tilespmem:s25+$0x0]  }
0x143: {  	s24 =	simm.s32 $0xC0C0;
	v6 =	vld.idx.msk [tilespmem:v6+s5+$0x0], $0xffff  }
0x144: {  	v7 =	vld.idx.msk [tilespmem:v7+s5+$0x0], $0xffff;
	[tilespmem:s24+$0x20] =	vst v2  }
0x145: {  	[tilespmem:s24+$0xFFFFFFE0] =	vst v3;
	v3 =	vld.idx.msk [tilespmem:v5+s5+$0x0], $0xffff  }
0x146: {  	[tilespmem:s24+$0x0] =	vst v4;
	v4 =	vld.idx.msk [tilespmem:v8+s5+$0x0], $0xffff  }
0x147: {  	v2 =	vld [tilespmem:s0+$0x30]  }
0x148: {  	v5 =	vld [tilespmem:s0+$0xFFFFFFF0]  }
0x149: {  	v8 =	vld [tilespmem:s0+$0x10]  }
0x14a: {  	s26 =	simm.s32 $0xC2C0;
	v9 =	vld.idx.msk [tilespmem:v9+s5+$0x0], $0xffff  }
0x14b: {  	v11 =	vld [tilespmem:s25+$0xFFFFFFE0];
	[tilespmem:s26+$0x20] =	vst v6  }
0x14c: {  	v14 =	vld [tilespmem:s28+$0x30]  }
0x14d: {  	[tilespmem:s26+$0xFFFFFFE0] =	vst v7;
	v12 =	vand.u32 $0xF, v2;
	vm0 =	vgt.s32 v2, $0xF;
	v15 =	vand.u32 $0xF, v5  }
0x14e: {  	[tilespmem:s24+$0xFFFFFFC0] =	vst v3;
	v2 =	vld [tilespmem:s25+$0xFFFFFFC0];
	v3 =	vand.u32 $0xF, v8;
	v6 =	vperm.xlane v0, v12;
	v12 =	vperm.xlane v1, v12  }
0x14f: {  	[tilespmem:s26+$0xFFFFFFC0] =	vst v9;
	v17 =	vld [tilespmem:s0+$0xFFFFFFD0];
	vm1 =	vgt.s32 v8, $0xF;
	v7 =	vperm.xlane v0, v3;
	v63 =	vperm.xlane v1, v3  }
0x150: {  	[tilespmem:s26+$0x0] =	vst v4;
	v16 =	vperm.xlane v0, v15;
	v15 =	vperm.xlane v1, v15;
	v3 =	vld [tilespmem:s28+$0xFFFFFFF0];
	v6 =	vsel vm0, v12, v6  }
0x151: {  	v4 =	vand.u32 $0xF, v14;
	vm0 =	vgt.s32 v5, $0xF;
	[tilespmem:s24+$0x30] =	vst v6;
	v6 =	vsel vm1, v63, v7;
	v7 =	vld.idx.msk [tilespmem:v10+s5+$0x0], $0xffff  }
0x152: {  	v8 =	vperm.xlane v0, v4;
	v5 =	vsel vm0, v15, v16;
	v10 =	vperm.xlane v1, v4;
	v4 =	vld.idx.msk [tilespmem:v13+s5+$0x0], $0xffff  }
0x153: {  	vm0 =	vgt.s32 v14, $0xF;
	[tilespmem:s24+$0xFFFFFFF0] =	vst v5;
	v5 =	vld.idx.msk [tilespmem:v11+s5+$0x0], $0xffff  }
0x154: {  	s1 =	simm.s32 $0x46C0;
	s29 =	simm.s32 $0xC2C0;
	s0 =	simm.s32 $0x100;
	[tilespmem:s24+$0x10] =	vst v6;
	v6 =	vld [tilespmem:s28+$0x10];
	v9 =	vand.u32 $0xF, v17;
	v8 =	vsel vm0, v10, v8;
	vm0 =	vgt.s32 v17, $0xF  }
.LBB2_27:
0x155: {  	v10 =	vld [tilespmem:s1+$0x20];
	s0 =	sadd.s32 $0x80, s0;
	v11 =	vand.u32 $0xF, v3;
	[tilespmem:s26+$0x30] =	vst v8;
	v8 =	vperm.xlane v0, v9;
	v9 =	vperm.xlane v1, v9  }
0x156: {  	vm1 =	vgt.s32 v3, $0xF;
	s26 =	sadd.s32 $0x200, s26;
	v12 =	vld [tilespmem:s1+$0xFFFFFFE0];
	p0 =	slt.u32 s0, $0xF80;
	v13 =	vperm.xlane v0, v11;
	v11 =	vperm.xlane v1, v11  }
0x157: {  	v14 =	vld [tilespmem:s1+$0x0];
	[tilespmem:s26+$0x20] =	vst v7;
	v3 =	vsel vm0, v9, v8  }
0x158: {  	[tilespmem:s26+$0xFFFFFFE0] =	vst v5;
	v8 =	vld [tilespmem:s25+$0x30];
	v5 =	vsel vm1, v11, v13  }
0x159: {  	v9 =	vld [tilespmem:s1+$0xFFFFFFC0];
	[tilespmem:s26+$0x0] =	vst v4;
	v4 =	vand.u32 $0xF, v6;
	vm0 =	vgt.s32 v6, $0xF  }
0x15a: {  	v6 =	vld.idx.msk [tilespmem:v2+s5+$0x0], $0xffff;
	v2 =	vperm.xlane v0, v4;
	v4 =	vperm.xlane v1, v4;
	[tilespmem:s24+$0xFFFFFFD0] =	vst v3;
	s24 =	smov.u32 s29;
	s29 =	smov.u32 s26  }
0x15b: {  	v11 =	vld [tilespmem:s28+$0xFFFFFFD0];
	[tilespmem:s24+$0xFFFFFFF0] =	vst v5;
	s28 =	smov.u32 s25;
	s25 =	smov.u32 s1  }
.Ltmp15:
0x15c: {  	v3 =	vld [tilespmem:s28+$0xFFFFFFF0];
	v13 =	vsel vm0, v4, v2;
	(pc) =	sbr.rel @p0 .LBB2_27-.Ltmp15, $4  }
0x15d: {  	v7 =	vld.idx.msk [tilespmem:v10+s5+$0x0], $0xffff;
	v4 =	vand.u32 $0xF, v8;
	[tilespmem:s24+$0x10] =	vst v13  }
0x15e: {  	v5 =	vld.idx.msk [tilespmem:v12+s5+$0x0], $0xffff;
	v10 =	vperm.xlane v0, v4;
	v12 =	vperm.xlane v1, v4;
	v2 =	vmov v9  }
0x15f: {  	vm0 =	vgt.s32 v8, $0xF;
	v4 =	vld.idx.msk [tilespmem:v14+s5+$0x0], $0xffff  }
0x160: {  	s1 =	sadd.s32 $0x200, s1;
	[tilespmem:s26+$0xFFFFFFC0] =	vst v6;
	v6 =	vld [tilespmem:s28+$0x10];
	v8 =	vsel vm0, v12, v10;
	v9 =	vand.u32 $0xF, v11;
	vm0 =	vgt.s32 v11, $0xF  }
0x161: {  	_ =	sdelay $0x2  }
0x162: {  	s0 =	sadd.s32 $0x200, s26  }
0x163: {  	v2 =	vld.idx.msk [tilespmem:v2+s5+$0x0], $0xffff;
	[tilespmem:s0+$0x20] =	vst v7  }
0x164: {  	v7 =	vld [tilespmem:s25+$0x30]  }
0x165: {  	v10 =	vand.u32 $0xF, v3;
	v11 =	vperm.xlane v0, v9;
	v9 =	vperm.xlane v1, v9;
	[tilespmem:s0+$0xFFFFFFE0] =	vst v5;
	v5 =	vld [tilespmem:s28+$0xFFFFFFD0]  }
0x166: {  	v12 =	vperm.xlane v0, v10;
	v10 =	vperm.xlane v1, v10;
	v14 =	vld [tilespmem:s25+$0xFFFFFFF0];
	v13 =	vand.u32 $0xF, v6  }
0x167: {  	v15 =	vperm.xlane v0, v13;
	v13 =	vperm.xlane v1, v13  }
0x168: {  	vm1 =	vgt.s32 v3, $0xF;
	v3 =	vsel vm0, v9, v11;
	[tilespmem:s0+$0x0] =	vst v4;
	vm0 =	vgt.s32 v6, $0xF  }
0x169: {  	v4 =	vsel vm1, v10, v12;
	[tilespmem:s0+$0xFFFFFFC0] =	vst v2;
	v2 =	vld [tilespmem:s25+$0x10];
	v6 =	vsel vm0, v13, v15;
	v9 =	vand.u32 $0xF, v7  }
0x16a: {  	v57 =	vld [tilespmem:s25+$0xFFFFFFD0];
	v11 =	vand.u32 $0xF, v5;
	v10 =	vperm.xlane v0, v9;
	v9 =	vperm.xlane v1, v9  }
0x16b: {  	[tilespmem:s26+$0x30] =	vst v8;
	v8 =	vand.u32 $0xF, v14;
	v58 =	vperm.xlane v0, v11;
	v11 =	vperm.xlane v1, v11  }
0x16c: {  	[tilespmem:s24+$0xFFFFFFD0] =	vst v3;
	vm0 =	vgt.s32 v7, $0xF;
	v3 =	vperm.xlane v0, v8;
	v7 =	vperm.xlane v1, v8  }
0x16d: {  	[tilespmem:s29+$0xFFFFFFF0] =	vst v4;
	vm1 =	vgt.s32 v14, $0xF;
	v4 =	vsel vm0, v9, v10;
	vm0 =	vgt.s32 v5, $0xF  }
0x16e: {  	[tilespmem:s29+$0x10] =	vst v6;
	v6 =	vand.u32 $0xF, v2;
	v5 =	vsel vm0, v11, v58;
	v3 =	vsel vm1, v7, v3  }
0x16f: {  	[tilespmem:s0+$0x30] =	vst v4;
	v4 =	vperm.xlane v0, v6;
	v6 =	vperm.xlane v1, v6;
	v7 =	vand.u32 $0xF, v57  }
0x170: {  	vm0 =	vgt.s32 v2, $0xF;
	[tilespmem:s29+$0xFFFFFFD0] =	vst v5;
	v2 =	vperm.xlane v0, v7;
	v5 =	vperm.xlane v1, v7  }
0x171: {  	[tilespmem:s0+$0xFFFFFFF0] =	vst v3;
	v3 =	vsel vm0, v6, v4;
	vm0 =	vgt.s32 v57, $0xF  }
0x172: {  	[tilespmem:s0+$0x10] =	vst v3;
	v2 =	vsel vm0, v5, v2  }
0x173: {  	s1 =	simm.s32 $0x4170;
	[tilespmem:s0+$0xFFFFFFD0] =	vst v2  }
0x174: {  	v2 =	vld [tilespmem:s1+$0xFFFFFFF0]  }
0x175: {  	v3 =	vld [tilespmem:s1+$0xFFFFFFB0]  }
0x176: {  	v4 =	vld [tilespmem:s1+$0xFFFFFFD0]  }
0x177: {  	s28 =	simm.s32 $0x4370;
	v5 =	vld [tilespmem:s1+$0xFFFFFF90]  }
0x178: {  	v6 =	vld [tilespmem:s28+$0xFFFFFFF0]  }
0x179: {  	v7 =	vld [tilespmem:s28+$0xFFFFFFB0]  }
0x17a: {  	v8 =	vld [tilespmem:s28+$0xFFFFFFD0]  }
0x17b: {  	s25 =	simm.s32 $0x4570;
	v9 =	vld [tilespmem:s28+$0xFFFFFF90]  }
0x17c: {  	v10 =	vld [tilespmem:s25+$0xFFFFFFF0]  }
0x17d: {  	v2 =	vld.idx.msk [tilespmem:v2+s5+$0x0], $0xffff  }
0x17e: {  	v3 =	vld.idx.msk [tilespmem:v3+s5+$0x0], $0xffff  }
0x17f: {  	v4 =	vld.idx.msk [tilespmem:v4+s5+$0x0], $0xffff  }
0x180: {  	v60 =	vld [tilespmem:s25+$0xFFFFFFD0]  }
0x181: {  	s24 =	simm.s32 $0xC170;
	v6 =	vld.idx.msk [tilespmem:v6+s5+$0x0], $0xffff  }
0x182: {  	v7 =	vld.idx.msk [tilespmem:v7+s5+$0x0], $0xffff;
	[tilespmem:s24+$0xFFFFFFF0] =	vst v2  }
0x183: {  	[tilespmem:s24+$0xFFFFFFB0] =	vst v3;
	v3 =	vld.idx.msk [tilespmem:v5+s5+$0x0], $0xffff  }
0x184: {  	[tilespmem:s24+$0xFFFFFFD0] =	vst v4;
	v4 =	vld.idx.msk [tilespmem:v8+s5+$0x0], $0xffff  }
0x185: {  	v2 =	vld [tilespmem:s1+$0x0]  }
0x186: {  	v5 =	vld [tilespmem:s1+$0xFFFFFFC0]  }
0x187: {  	v8 =	vld [tilespmem:s1+$0xFFFFFFE0]  }
0x188: {  	s26 =	simm.s32 $0xC370;
	v9 =	vld.idx.msk [tilespmem:v9+s5+$0x0], $0xffff  }
0x189: {  	v11 =	vld [tilespmem:s25+$0xFFFFFFB0];
	[tilespmem:s26+$0xFFFFFFF0] =	vst v6  }
0x18a: {  	v61 =	vld [tilespmem:s28+$0x0]  }
0x18b: {  	[tilespmem:s26+$0xFFFFFFB0] =	vst v7;
	v59 =	vand.u32 $0xF, v2;
	vm0 =	vgt.s32 v2, $0xF;
	v62 =	vand.u32 $0xF, v5  }
0x18c: {  	[tilespmem:s24+$0xFFFFFF90] =	vst v3;
	v2 =	vld [tilespmem:s25+$0xFFFFFF90];
	v3 =	vand.u32 $0xF, v8;
	v6 =	vperm.xlane v0, v59;
	v12 =	vperm.xlane v1, v59  }
0x18d: {  	[tilespmem:s26+$0xFFFFFF90] =	vst v9;
	v17 =	vld [tilespmem:s1+$0xFFFFFFA0];
	vm1 =	vgt.s32 v8, $0xF;
	v7 =	vperm.xlane v0, v3;
	v63 =	vperm.xlane v1, v3  }
0x18e: {  	[tilespmem:s26+$0xFFFFFFD0] =	vst v4;
	v16 =	vperm.xlane v0, v62;
	v15 =	vperm.xlane v1, v62;
	v3 =	vld [tilespmem:s28+$0xFFFFFFC0];
	v6 =	vsel vm0, v12, v6  }
0x18f: {  	v4 =	vand.u32 $0xF, v61;
	vm0 =	vgt.s32 v5, $0xF;
	[tilespmem:s24+$0x0] =	vst v6;
	v6 =	vsel vm1, v63, v7;
	v7 =	vld.idx.msk [tilespmem:v10+s5+$0x0], $0xffff  }
0x190: {  	v8 =	vperm.xlane v0, v4;
	v5 =	vsel vm0, v15, v16;
	v10 =	vperm.xlane v1, v4;
	v4 =	vld.idx.msk [tilespmem:v60+s5+$0x0], $0xffff  }
0x191: {  	vm0 =	vgt.s32 v61, $0xF;
	[tilespmem:s24+$0xFFFFFFC0] =	vst v5;
	v5 =	vld.idx.msk [tilespmem:v11+s5+$0x0], $0xffff  }
0x192: {  	s29 =	simm.s32 $0xC370;
	s0 =	simm.s32 $0x100;
	s1 =	simm.s32 $0x4770;
	[tilespmem:s24+$0xFFFFFFE0] =	vst v6;
	v6 =	vld [tilespmem:s28+$0xFFFFFFE0];
	v9 =	vand.u32 $0xF, v17;
	v8 =	vsel vm0, v10, v8;
	vm0 =	vgt.s32 v17, $0xF  }
.LBB2_29:
0x193: {  	v10 =	vld [tilespmem:s1+$0xFFFFFFF0];
	s0 =	sadd.s32 $0x80, s0;
	v11 =	vand.u32 $0xF, v3;
	[tilespmem:s26+$0x0] =	vst v8;
	v8 =	vperm.xlane v0, v9;
	v9 =	vperm.xlane v1, v9  }
0x194: {  	vm1 =	vgt.s32 v3, $0xF;
	s26 =	sadd.s32 $0x200, s26;
	v12 =	vld [tilespmem:s1+$0xFFFFFFB0];
	p0 =	slt.u32 s0, $0xF80;
	v13 =	vperm.xlane v0, v11;
	v11 =	vperm.xlane v1, v11  }
0x195: {  	v14 =	vld [tilespmem:s1+$0xFFFFFFD0];
	[tilespmem:s26+$0xFFFFFFF0] =	vst v7;
	v3 =	vsel vm0, v9, v8  }
0x196: {  	[tilespmem:s26+$0xFFFFFFB0] =	vst v5;
	v8 =	vld [tilespmem:s25+$0x0];
	v5 =	vsel vm1, v11, v13  }
0x197: {  	v9 =	vld [tilespmem:s1+$0xFFFFFF90];
	[tilespmem:s26+$0xFFFFFFD0] =	vst v4;
	v4 =	vand.u32 $0xF, v6;
	vm0 =	vgt.s32 v6, $0xF  }
0x198: {  	v6 =	vld.idx.msk [tilespmem:v2+s5+$0x0], $0xffff;
	v2 =	vperm.xlane v0, v4;
	v4 =	vperm.xlane v1, v4;
	[tilespmem:s24+$0xFFFFFFA0] =	vst v3;
	s24 =	smov.u32 s29;
	s29 =	smov.u32 s26  }
0x199: {  	v11 =	vld [tilespmem:s28+$0xFFFFFFA0];
	[tilespmem:s24+$0xFFFFFFC0] =	vst v5;
	s28 =	smov.u32 s25;
	s25 =	smov.u32 s1  }
.Ltmp16:
0x19a: {  	v3 =	vld [tilespmem:s28+$0xFFFFFFC0];
	v13 =	vsel vm0, v4, v2;
	(pc) =	sbr.rel @p0 .LBB2_29-.Ltmp16, $4  }
0x19b: {  	v7 =	vld.idx.msk [tilespmem:v10+s5+$0x0], $0xffff;
	v4 =	vand.u32 $0xF, v8;
	[tilespmem:s24+$0xFFFFFFE0] =	vst v13  }
0x19c: {  	v5 =	vld.idx.msk [tilespmem:v12+s5+$0x0], $0xffff;
	v10 =	vperm.xlane v0, v4;
	v12 =	vperm.xlane v1, v4;
	v2 =	vmov v9  }
0x19d: {  	vm0 =	vgt.s32 v8, $0xF;
	v4 =	vld.idx.msk [tilespmem:v14+s5+$0x0], $0xffff  }
0x19e: {  	s1 =	sadd.s32 $0x200, s1;
	[tilespmem:s26+$0xFFFFFF90] =	vst v6;
	v6 =	vld [tilespmem:s28+$0xFFFFFFE0];
	v8 =	vsel vm0, v12, v10;
	v9 =	vand.u32 $0xF, v11;
	vm0 =	vgt.s32 v11, $0xF  }
0x19f: {  	_ =	sdelay $0x2  }
0x1a0: {  	s1 =	sadd.s32 $0x200, s26;
	v10 =	vld [tilespmem:s28+$0xFFFFFFA0]  }
0x1a1: {  	v2 =	vld.idx.msk [tilespmem:v2+s5+$0x0], $0xffff;
	v11 =	vand.u32 $0xF, v3;
	v12 =	vperm.xlane v0, v9;
	v9 =	vperm.xlane v1, v9;
	[tilespmem:s1+$0xFFFFFFF0] =	vst v7  }
0x1a2: {  	v7 =	vld [tilespmem:s25+$0x0];
	[tilespmem:s1+$0xFFFFFFB0] =	vst v5;
	v5 =	vperm.xlane v0, v11;
	v11 =	vperm.xlane v1, v11  }
0x1a3: {  	vm10 =	vgt.s32 v3, $0xF;
	v14 =	vld [tilespmem:s25+$0xFFFFFFC0]  }
0x1a4: {  	v9 =	vsel vm0, v9, v12;
	v13 =	vand.u32 $0xF, v6;
	v3 =	vsel vm10, v11, v5  }
0x1a5: {  	[tilespmem:s1+$0xFFFFFFD0] =	vst v4;
	v15 =	vperm.xlane v0, v13;
	v13 =	vperm.xlane v1, v13;
	v11 =	vand.u32 $0xF, v10  }
0x1a6: {  	vm1 =	vgt.s32 v6, $0xF;
	[tilespmem:s1+$0xFFFFFF90] =	vst v2;
	v2 =	vld [tilespmem:s25+$0xFFFFFFE0];
	vm12 =	vgt.s32 v10, $0xF;
	v63 =	vperm.xlane v0, v11  }
0x1a7: {  	v62 =	vld [tilespmem:s25+$0xFFFFFFA0];
	v11 =	vperm.xlane v1, v11;
	v4 =	vsel vm1, v13, v15;
	v5 =	vand.u32 $0xF, v7  }
0x1a8: {  	[tilespmem:s26+$0x0] =	vst v8;
	v6 =	vperm.xlane v0, v5;
	v5 =	vperm.xlane v1, v5;
	v8 =	vand.u32 $0xF, v14  }
0x1a9: {  	[tilespmem:s24+$0xFFFFFFA0] =	vst v9;
	vm11 =	vgt.s32 v7, $0xF;
	v7 =	vperm.xlane v0, v8;
	v8 =	vperm.xlane v1, v8  }
0x1aa: {  	vm13 =	vgt.s32 v14, $0xF;
	[tilespmem:s29+$0xFFFFFFE0] =	vst v4;
	v4 =	vsel vm12, v11, v63  }
0x1ab: {  	[tilespmem:s29+$0xFFFFFFC0] =	vst v3;
	v3 =	vsel vm11, v5, v6;
	v6 =	vand.u32 $0xF, v2;
	v5 =	vsel vm13, v8, v7  }
0x1ac: {  	[tilespmem:s1+$0x0] =	vst v3;
	v3 =	vperm.xlane v0, v6;
	v6 =	vperm.xlane v1, v6;
	v7 =	vand.u32 $0xF, v62  }
0x1ad: {  	[tilespmem:s29+$0xFFFFFFA0] =	vst v4;
	vm14 =	vgt.s32 v2, $0xF;
	v2 =	vperm.xlane v0, v7;
	v4 =	vperm.xlane v1, v7  }
0x1ae: {  	vm15 =	vgt.s32 v62, $0xF;
	[tilespmem:s1+$0xFFFFFFC0] =	vst v5;
	v3 =	vsel vm14, v6, v3  }
0x1af: {  	[tilespmem:s1+$0xFFFFFFE0] =	vst v3;
	v2 =	vsel vm15, v4, v2  }
0x1b0: {  	s0 =	simm.s32 $0x41F0;
	[tilespmem:s1+$0xFFFFFFA0] =	vst v2  }
0x1b1: {  	v2 =	vld [tilespmem:s0+$0xFFFFFFF0]  }
0x1b2: {  	v3 =	vld [tilespmem:s0+$0xFFFFFFB0]  }
0x1b3: {  	v6 =	vld [tilespmem:s0+$0xFFFFFFD0];
	_ =	sdelay $0x2  }
0x1b4: {  	p1 =	por $0x1, $0x1  }
.Ltmp17:
0x1b5: {  	_ = 	snop;
	(pc) =	sbr.rel @!p1 .LBB2_31-.Ltmp17, $4  }
0x1b6: {  	v8 =	vld [tilespmem:s0+$0xFFFFFF90]  }
0x1b7: {  	v5 =	vld.idx.msk [tilespmem:v2+s5+$0x0], $0xffff  }
0x1b8: {  	s28 =	simm.s32 $0x43F0;
	v4 =	vld.idx.msk [tilespmem:v3+s5+$0x0], $0xffff  }
0x1b9: {  	p2 =	por $0x0, $0x0;
	p0 =	por $0x0, $0x0;
	s24 =	simm.s32 $0xC1F0;
	v2 =	vld.idx.msk [tilespmem:v6+s5+$0x0], $0xffff  }
0x1ba: {  	v6 =	vld [tilespmem:s28+$0xFFFFFFF0]  }
0x1bb: {  	v7 =	vld [tilespmem:s28+$0xFFFFFFB0]  }
0x1bc: {  	v10 =	vld [tilespmem:s28+$0xFFFFFFD0];
	[tilespmem:s24+$0xFFFFFFF0] =	vst v5  }
0x1bd: {  	v11 =	vld [tilespmem:s0+$0x0];
	_ =	sdelay $0x1  }
0x1be: {  	v9 =	vld [tilespmem:s28+$0xFFFFFF90]  }
0x1bf: {  	p3 =	por $0x1, $0x1;
	v8 =	vld.idx.msk [tilespmem:v8+s5+$0x0], $0xffff;
	[tilespmem:s24+$0xFFFFFFB0] =	vst v4  }
.Ltmp18:
0x1c0: {  	v3 =	vld [tilespmem:s0+$0xFFFFFFC0];
	(pc) =	sbr.rel @!p3 .LBB2_33-.Ltmp18, $4  }
0x1c1: {  	v5 =	vld.idx.msk [tilespmem:v6+s5+$0x0], $0xffff;
	v6 =	vand.u32 $0xF, v11  }
0x1c2: {  	v4 =	vld.idx.msk [tilespmem:v7+s5+$0x0], $0xffff;
	v7 =	vperm.xlane v0, v6;
	v12 =	vperm.xlane v1, v6  }
0x1c3: {  	[tilespmem:s24+$0xFFFFFFD0] =	vst v2;
	v2 =	vld.idx.msk [tilespmem:v10+s5+$0x0], $0xffff;
	vm0 =	vgt.s32 v11, $0xF  }
0x1c4: {  	s25 =	simm.s32 $0x45F0;
	p2 =	por $0x1, $0x1;
	[tilespmem:s24+$0xFFFFFF90] =	vst v8;
	v6 =	vld [tilespmem:s0+$0xFFFFFFE0];
	v7 =	vsel vm0, v12, v7  }
0x1c5: {  	v10 =	vld [tilespmem:s25+$0xFFFFFFF0]  }
0x1c6: {  	v11 =	vld [tilespmem:s25+$0xFFFFFFB0];
	s26 =	simm.s32 $0xC3F0  }
0x1c7: {  	v12 =	vld [tilespmem:s25+$0xFFFFFFD0];
	[tilespmem:s26+$0xFFFFFFF0] =	vst v5  }
0x1c8: {  	v13 =	vld [tilespmem:s28+$0x0]  }
0x1c9: {  	v8 =	vld [tilespmem:s25+$0xFFFFFF90];
	v5 =	vand.u32 $0xF, v3  }
0x1ca: {  	v9 =	vld.idx.msk [tilespmem:v9+s5+$0x0], $0xffff;
	[tilespmem:s24+$0x0] =	vst v7;
	v14 =	vperm.xlane v0, v5;
	v5 =	vperm.xlane v1, v5  }
0x1cb: {  	vm0 =	vgt.s32 v3, $0xF;
	v16 =	vld [tilespmem:s0+$0xFFFFFFA0];
	p4 =	por $0x1, $0x1;
	[tilespmem:s26+$0xFFFFFFB0] =	vst v4;
	v15 =	vand.u32 $0xF, v6;
	vm1 =	vgt.s32 v6, $0xF  }
.Ltmp19:
0x1cc: {  	v3 =	vld [tilespmem:s28+$0xFFFFFFC0];
	[tilespmem:s26+$0xFFFFFFD0] =	vst v2;
	v6 =	vsel vm0, v5, v14;
	v4 =	vperm.xlane v0, v15;
	v15 =	vperm.xlane v1, v15;
	(pc) =	sbr.rel @!p4 .LBB2_35-.Ltmp19, $4  }
0x1cd: {  	[tilespmem:s24+$0xFFFFFFC0] =	vst v6;
	v2 =	vand.u32 $0xF, v13;
	v5 =	vld.idx.msk [tilespmem:v10+s5+$0x0], $0xffff  }
0x1ce: {  	v7 =	vsel vm1, v15, v4;
	v4 =	vld.idx.msk [tilespmem:v11+s5+$0x0], $0xffff;
	v10 =	vperm.xlane v0, v2;
	v11 =	vperm.xlane v1, v2  }
0x1cf: {  	s0 =	simm.s32 $0x100;
	s3 =	simm.s32 $0x47F0;
	[tilespmem:s26+$0xFFFFFF90] =	vst v9;
	v6 =	vld [tilespmem:s28+$0xFFFFFFE0];
	vm0 =	vgt.s32 v13, $0xF  }
0x1d0: {  	p3 =	por $0x1, $0x1;
	s29 =	simm.s32 $0xC1F0;
	s1 =	simm.s32 $0xC3F0;
	[tilespmem:s24+$0xFFFFFFE0] =	vst v7;
	v2 =	vld.idx.msk [tilespmem:v12+s5+$0x0], $0xffff;
	v7 =	vsel vm0, v11, v10;
	v10 =	vand.u32 $0xF, v16;
	vm0 =	vgt.s32 v16, $0xF  }
.LBB2_36:
0x1d1: {  	v9 =	vld [tilespmem:s3+$0xFFFFFFF0];
	s0 =	sadd.s32 $0x80, s0;
	v11 =	vand.u32 $0xF, v3;
	[tilespmem:s26+$0x0] =	vst v7;
	v7 =	vperm.xlane v0, v10;
	v10 =	vperm.xlane v1, v10  }
0x1d2: {  	vm1 =	vgt.s32 v3, $0xF;
	s26 =	sadd.s32 $0x200, s26;
	v12 =	vld [tilespmem:s3+$0xFFFFFFB0];
	p4 =	slt.u32 s0, $0xF80;
	v13 =	vperm.xlane v0, v11;
	v11 =	vperm.xlane v1, v11  }
0x1d3: {  	v14 =	vld [tilespmem:s3+$0xFFFFFFD0];
	[tilespmem:s26+$0xFFFFFFF0] =	vst v5;
	v3 =	vsel vm0, v10, v7  }
0x1d4: {  	[tilespmem:s26+$0xFFFFFFB0] =	vst v4;
	v7 =	vld [tilespmem:s25+$0x0];
	v4 =	vsel vm1, v11, v13  }
0x1d5: {  	v10 =	vld [tilespmem:s3+$0xFFFFFF90];
	[tilespmem:s26+$0xFFFFFFD0] =	vst v2;
	v2 =	vand.u32 $0xF, v6;
	vm0 =	vgt.s32 v6, $0xF  }
0x1d6: {  	v6 =	vld.idx.msk [tilespmem:v8+s5+$0x0], $0xffff;
	v5 =	vperm.xlane v0, v2;
	v2 =	vperm.xlane v1, v2;
	[tilespmem:s29+$0xFFFFFFA0] =	vst v3;
	s29 =	smov.u32 s1;
	s1 =	smov.u32 s26  }
0x1d7: {  	v11 =	vld [tilespmem:s28+$0xFFFFFFA0];
	[tilespmem:s29+$0xFFFFFFC0] =	vst v4;
	s28 =	smov.u32 s25;
	s25 =	smov.u32 s3  }
.Ltmp20:
0x1d8: {  	v3 =	vld [tilespmem:s28+$0xFFFFFFC0];
	v2 =	vsel vm0, v2, v5;
	(pc) =	sbr.rel @p4 .LBB2_36-.Ltmp20, $4  }
0x1d9: {  	v5 =	vld.idx.msk [tilespmem:v9+s5+$0x0], $0xffff;
	v13 =	vand.u32 $0xF, v7;
	[tilespmem:s29+$0xFFFFFFE0] =	vst v2  }
0x1da: {  	v4 =	vld.idx.msk [tilespmem:v12+s5+$0x0], $0xffff;
	v9 =	vperm.xlane v0, v13;
	v12 =	vperm.xlane v1, v13;
	v8 =	vmov v10  }
0x1db: {  	vm0 =	vgt.s32 v7, $0xF;
	v2 =	vld.idx.msk [tilespmem:v14+s5+$0x0], $0xffff  }
0x1dc: {  	s3 =	sadd.s32 $0x200, s3;
	[tilespmem:s26+$0xFFFFFF90] =	vst v6;
	v6 =	vld [tilespmem:s28+$0xFFFFFFE0];
	v7 =	vsel vm0, v12, v9;
	v10 =	vand.u32 $0xF, v11;
	vm0 =	vgt.s32 v11, $0xF  }
0x1dd: {  	v9 =	vmov v8;
	s0 =	smov.u32 s28  }
.LBB2_38:
0x1de: {  	_ =	sdelay $0x2  }
0x1df: {  	s3 =	sadd.s32 @p2 $0x200, s26  }
0x1e0: {  	v8 =	vld.idx.msk [tilespmem:v9+s5+$0x0], $0xffff;
	s24 =	smov.u32 @p2 s3  }
0x1e1: {  	v12 =	vld @p2 [tilespmem:s0+$0xFFFFFFA0];
	[tilespmem:s24+$0xFFFFFFF0] =	vst v5  }
0x1e2: {  	v9 =	vand.u32 @p2 $0xF, v3;
	v11 =	vperm.xlane @p3 v0, v10;
	v10 =	vperm.xlane @p3 v1, v10;
	v5 =	vld [tilespmem:s25+$0x0]  }
0x1e3: {  	v13 =	vperm.xlane @p2 v0, v9;
	[tilespmem:s24+$0xFFFFFFB0] =	vst v4  }
0x1e4: {  	v4 =	vperm.xlane @p2 v1, v9;
	v9 =	vsel @p3 vm0, v10, v11;
	v10 =	vand.u32 @p2 $0xF, v6;
	v11 =	vld [tilespmem:s25+$0xFFFFFFC0]  }
0x1e5: {  	vm0 =	vgt.s32 @p2 v3, $0xF;
	v3 =	vperm.xlane @p2 v0, v10;
	v10 =	vperm.xlane @p2 v1, v10  }
0x1e6: {  	[tilespmem:s24+$0xFFFFFFD0] =	vst v2;
	v4 =	vsel @p2 vm0, v4, v13;
	vm0 =	vgt.s32 @p2 v6, $0xF;
	vm1 =	vgt.s32 @p2 v12, $0xF  }
0x1e7: {  	[tilespmem:s24+$0xFFFFFF90] =	vst v8;
	v8 =	vld [tilespmem:s25+$0xFFFFFFE0];
	v3 =	vsel @p2 vm0, v10, v3;
	v10 =	vand.u32 @p2 $0xF, v12;
	v2 =	vand.u32 $0xF, v5  }
0x1e8: {  	vm0 =	vgt.s32 v5, $0xF;
	v5 =	vpsel p2, v10, v0;
	v10 =	vld [tilespmem:s25+$0xFFFFFFA0];
	v6 =	vperm.xlane v0, v2  }
0x1e9: {  	[tilespmem:s26+$0x0] =	vst @p2 v7;
	v7 =	vand.u32 $0xF, v11;
	v2 =	vperm.xlane v1, v2;
	v13 =	vperm.xlane @p2 v0, v5  }
0x1ea: {  	s0 =	smov.u32 @p2 s1;
	[tilespmem:s29+$0xFFFFFFA0] =	vst @p3 v9;
	vm13 =	vgt.s32 v11, $0xF;
	v5 =	vperm.xlane @p2 v1, v5;
	v9 =	vperm.xlane v0, v7  }
0x1eb: {  	[tilespmem:s0+$0xFFFFFFC0] =	vst @p2 v4;
	v7 =	vperm.xlane v1, v7;
	v2 =	vsel vm0, v2, v6;
	vm0 =	vmmov @p2 vm1  }
0x1ec: {  	[tilespmem:s0+$0xFFFFFFE0] =	vst @p2 v3;
	vm14 =	vgt.s32 v8, $0xF;
	v3 =	vsel @p2 vm0, v5, v13;
	v5 =	vand.u32 $0xF, v8  }
0x1ed: {  	s0 =	smov.u32 @p2 s0;
	[tilespmem:s24+$0x0] =	vst v2;
	v2 =	vperm.xlane v0, v5;
	v5 =	vperm.xlane v1, v5;
	v6 =	vand.u32 $0xF, v10  }
0x1ee: {  	v4 =	vsel vm13, v7, v9;
	[tilespmem:s0+$0xFFFFFFA0] =	vst @p2 v3;
	v3 =	vperm.xlane v0, v6;
	v6 =	vperm.xlane v1, v6  }
0x1ef: {  	[tilespmem:s24+$0xFFFFFFC0] =	vst v4;
	vm15 =	vgt.s32 v10, $0xF;
	v2 =	vsel vm14, v5, v2  }
0x1f0: {  	[tilespmem:s24+$0xFFFFFFE0] =	vst v2;
	v2 =	vsel vm15, v6, v3  }
0x1f1: {  	s0 =	simm.s32 $0x4270;
	[tilespmem:s24+$0xFFFFFFA0] =	vst v2  }
0x1f2: {  	v2 =	vld [tilespmem:s0+$0xFFFFFFF0]  }
0x1f3: {  	v3 =	vld [tilespmem:s0+$0xFFFFFFB0]  }
0x1f4: {  	v6 =	vld [tilespmem:s0+$0xFFFFFFD0];
	_ =	sdelay $0x3  }
.Ltmp21:
0x1f5: {  	_ = 	snop;
	(pc) =	sbr.rel @!p1 .LBB2_39-.Ltmp21, $4  }
0x1f6: {  	v8 =	vld [tilespmem:s0+$0xFFFFFF90]  }
0x1f7: {  	v5 =	vld.idx.msk [tilespmem:v2+s5+$0x0], $0xffff  }
0x1f8: {  	v4 =	vld.idx.msk [tilespmem:v3+s5+$0x0], $0xffff  }
0x1f9: {  	s28 =	simm.s32 $0x4470;
	s24 =	simm.s32 $0xC270;
	v2 =	vld.idx.msk [tilespmem:v6+s5+$0x0], $0xffff  }
0x1fa: {  	v6 =	vld [tilespmem:s28+$0xFFFFFFF0]  }
0x1fb: {  	v7 =	vld [tilespmem:s28+$0xFFFFFFB0]  }
0x1fc: {  	v10 =	vld [tilespmem:s28+$0xFFFFFFD0];
	[tilespmem:s24+$0xFFFFFFF0] =	vst v5  }
0x1fd: {  	v11 =	vld [tilespmem:s0+$0x0];
	_ =	sdelay $0x1  }
0x1fe: {  	v9 =	vld [tilespmem:s28+$0xFFFFFF90]  }
0x1ff: {  	p2 =	por $0x1, $0x1;
	v8 =	vld.idx.msk [tilespmem:v8+s5+$0x0], $0xffff;
	[tilespmem:s24+$0xFFFFFFB0] =	vst v4  }
.Ltmp22:
0x200: {  	v3 =	vld [tilespmem:s0+$0xFFFFFFC0];
	(pc) =	sbr.rel @!p2 .LBB2_41-.Ltmp22, $4  }
0x201: {  	v5 =	vld.idx.msk [tilespmem:v6+s5+$0x0], $0xffff;
	v6 =	vand.u32 $0xF, v11  }
0x202: {  	v4 =	vld.idx.msk [tilespmem:v7+s5+$0x0], $0xffff;
	v7 =	vperm.xlane v0, v6;
	v12 =	vperm.xlane v1, v6  }
0x203: {  	[tilespmem:s24+$0xFFFFFFD0] =	vst v2;
	v2 =	vld.idx.msk [tilespmem:v10+s5+$0x0], $0xffff;
	vm0 =	vgt.s32 v11, $0xF  }
0x204: {  	s25 =	simm.s32 $0x4670;
	p1 =	por $0x1, $0x1;
	[tilespmem:s24+$0xFFFFFF90] =	vst v8;
	v6 =	vld [tilespmem:s0+$0xFFFFFFE0];
	v7 =	vsel vm0, v12, v7  }
0x205: {  	v10 =	vld [tilespmem:s25+$0xFFFFFFF0]  }
0x206: {  	v11 =	vld [tilespmem:s25+$0xFFFFFFB0];
	s26 =	simm.s32 $0xC470  }
0x207: {  	v12 =	vld [tilespmem:s25+$0xFFFFFFD0];
	[tilespmem:s26+$0xFFFFFFF0] =	vst v5  }
0x208: {  	v13 =	vld [tilespmem:s28+$0x0]  }
0x209: {  	v8 =	vld [tilespmem:s25+$0xFFFFFF90];
	v5 =	vand.u32 $0xF, v3  }
0x20a: {  	v9 =	vld.idx.msk [tilespmem:v9+s5+$0x0], $0xffff;
	[tilespmem:s24+$0x0] =	vst v7;
	v14 =	vperm.xlane v0, v5;
	v5 =	vperm.xlane v1, v5  }
0x20b: {  	vm0 =	vgt.s32 v3, $0xF;
	v16 =	vld [tilespmem:s0+$0xFFFFFFA0];
	p2 =	por $0x1, $0x1;
	[tilespmem:s26+$0xFFFFFFB0] =	vst v4;
	v15 =	vand.u32 $0xF, v6;
	vm1 =	vgt.s32 v6, $0xF  }
.Ltmp23:
0x20c: {  	v3 =	vld [tilespmem:s28+$0xFFFFFFC0];
	[tilespmem:s26+$0xFFFFFFD0] =	vst v2;
	v6 =	vsel vm0, v5, v14;
	v4 =	vperm.xlane v0, v15;
	v15 =	vperm.xlane v1, v15;
	(pc) =	sbr.rel @!p2 .LBB2_43-.Ltmp23, $4  }
0x20d: {  	[tilespmem:s24+$0xFFFFFFC0] =	vst v6;
	v2 =	vand.u32 $0xF, v13;
	v5 =	vld.idx.msk [tilespmem:v10+s5+$0x0], $0xffff  }
0x20e: {  	v7 =	vsel vm1, v15, v4;
	v4 =	vld.idx.msk [tilespmem:v11+s5+$0x0], $0xffff;
	v10 =	vperm.xlane v0, v2;
	v11 =	vperm.xlane v1, v2  }
0x20f: {  	s0 =	simm.s32 $0x100;
	s3 =	simm.s32 $0x4870;
	[tilespmem:s26+$0xFFFFFF90] =	vst v9;
	v6 =	vld [tilespmem:s28+$0xFFFFFFE0];
	vm0 =	vgt.s32 v13, $0xF  }
0x210: {  	p0 =	por $0x1, $0x1;
	s29 =	simm.s32 $0xC270;
	s1 =	simm.s32 $0xC470;
	[tilespmem:s24+$0xFFFFFFE0] =	vst v7;
	v2 =	vld.idx.msk [tilespmem:v12+s5+$0x0], $0xffff;
	v7 =	vsel vm0, v11, v10;
	v10 =	vand.u32 $0xF, v16;
	vm0 =	vgt.s32 v16, $0xF  }
.LBB2_44:
0x211: {  	v9 =	vld [tilespmem:s3+$0xFFFFFFF0];
	s0 =	sadd.s32 $0x80, s0;
	v11 =	vand.u32 $0xF, v3;
	[tilespmem:s26+$0x0] =	vst v7;
	v7 =	vperm.xlane v0, v10;
	v10 =	vperm.xlane v1, v10  }
0x212: {  	vm1 =	vgt.s32 v3, $0xF;
	s26 =	sadd.s32 $0x200, s26;
	v12 =	vld [tilespmem:s3+$0xFFFFFFB0];
	p2 =	slt.u32 s0, $0xF80;
	v13 =	vperm.xlane v0, v11;
	v11 =	vperm.xlane v1, v11  }
0x213: {  	v14 =	vld [tilespmem:s3+$0xFFFFFFD0];
	[tilespmem:s26+$0xFFFFFFF0] =	vst v5;
	v3 =	vsel vm0, v10, v7  }
0x214: {  	[tilespmem:s26+$0xFFFFFFB0] =	vst v4;
	v7 =	vld [tilespmem:s25+$0x0];
	v4 =	vsel vm1, v11, v13  }
0x215: {  	v10 =	vld [tilespmem:s3+$0xFFFFFF90];
	[tilespmem:s26+$0xFFFFFFD0] =	vst v2;
	v2 =	vand.u32 $0xF, v6;
	vm0 =	vgt.s32 v6, $0xF  }
0x216: {  	v6 =	vld.idx.msk [tilespmem:v8+s5+$0x0], $0xffff;
	v5 =	vperm.xlane v0, v2;
	v2 =	vperm.xlane v1, v2;
	[tilespmem:s29+$0xFFFFFFA0] =	vst v3;
	s29 =	smov.u32 s1;
	s1 =	smov.u32 s26  }
0x217: {  	v11 =	vld [tilespmem:s28+$0xFFFFFFA0];
	[tilespmem:s29+$0xFFFFFFC0] =	vst v4;
	s28 =	smov.u32 s25;
	s25 =	smov.u32 s3  }
.Ltmp24:
0x218: {  	v3 =	vld [tilespmem:s28+$0xFFFFFFC0];
	v2 =	vsel vm0, v2, v5;
	(pc) =	sbr.rel @p2 .LBB2_44-.Ltmp24, $4  }
0x219: {  	v5 =	vld.idx.msk [tilespmem:v9+s5+$0x0], $0xffff;
	v13 =	vand.u32 $0xF, v7;
	[tilespmem:s29+$0xFFFFFFE0] =	vst v2  }
0x21a: {  	v4 =	vld.idx.msk [tilespmem:v12+s5+$0x0], $0xffff;
	v9 =	vperm.xlane v0, v13;
	v12 =	vperm.xlane v1, v13;
	v8 =	vmov v10  }
0x21b: {  	vm0 =	vgt.s32 v7, $0xF;
	v2 =	vld.idx.msk [tilespmem:v14+s5+$0x0], $0xffff  }
0x21c: {  	s3 =	sadd.s32 $0x200, s3;
	[tilespmem:s26+$0xFFFFFF90] =	vst v6;
	v6 =	vld [tilespmem:s28+$0xFFFFFFE0];
	v7 =	vsel vm0, v12, v9;
	v10 =	vand.u32 $0xF, v11;
	vm0 =	vgt.s32 v11, $0xF  }
0x21d: {  	v9 =	vmov v8;
	s0 =	smov.u32 s28  }
.LBB2_46:
0x21e: {  	_ =	sdelay $0x2  }
0x21f: {  	s3 =	sadd.s32 @p1 $0x200, s26  }
0x220: {  	v8 =	vld.idx.msk [tilespmem:v9+s5+$0x0], $0xffff;
	s24 =	smov.u32 @p1 s3  }
0x221: {  	v12 =	vld @p1 [tilespmem:s0+$0xFFFFFFA0];
	[tilespmem:s24+$0xFFFFFFF0] =	vst v5  }
0x222: {  	v9 =	vand.u32 @p1 $0xF, v3;
	v11 =	vperm.xlane @p0 v0, v10;
	v10 =	vperm.xlane @p0 v1, v10;
	[tilespmem:s24+$0xFFFFFFB0] =	vst v4;
	v5 =	vld [tilespmem:s25+$0x0]  }
0x223: {  	v13 =	vperm.xlane @p1 v0, v9;
	v55 =	vld [tilespmem:s25+$0xFFFFFFC0]  }
0x224: {  	v4 =	vperm.xlane @p1 v1, v9;
	v9 =	vsel @p0 vm0, v10, v11;
	[tilespmem:s24+$0xFFFFFFD0] =	vst v2;
	v10 =	vand.u32 @p1 $0xF, v6  }
0x225: {  	vm0 =	vgt.s32 @p1 v3, $0xF;
	v57 =	vld [tilespmem:s25+$0xFFFFFFE0];
	v3 =	vperm.xlane @p1 v0, v10;
	v10 =	vperm.xlane @p1 v1, v10  }
0x226: {  	v4 =	vsel @p1 vm0, v4, v13;
	vm0 =	vgt.s32 @p1 v6, $0xF;
	[tilespmem:s24+$0xFFFFFF90] =	vst v8;
	vm1 =	vgt.s32 @p1 v12, $0xF  }
0x227: {  	v3 =	vsel @p1 vm0, v10, v3;
	v10 =	vand.u32 @p1 $0xF, v12;
	v58 =	vld [tilespmem:s25+$0xFFFFFFA0];
	v2 =	vand.u32 $0xF, v5  }
0x228: {  	vm0 =	vgt.s32 v5, $0xF;
	v5 =	vpsel p1, v10, v0;
	v59 =	vand.u32 $0xF, v55  }
0x229: {  	[tilespmem:s26+$0x0] =	vst @p1 v7;
	vm13 =	vgt.s32 v55, $0xF;
	v56 =	vperm.xlane v0, v2;
	v2 =	vperm.xlane v1, v2  }
0x22a: {  	s0 =	smov.u32 @p1 s1;
	[tilespmem:s29+$0xFFFFFFA0] =	vst @p0 v9;
	v62 =	vand.u32 $0xF, v57;
	v13 =	vperm.xlane @p1 v0, v5;
	v5 =	vperm.xlane @p1 v1, v5  }
0x22b: {  	[tilespmem:s0+$0xFFFFFFC0] =	vst @p1 v4;
	vm14 =	vgt.s32 v57, $0xF;
	v60 =	vperm.xlane v0, v59;
	v7 =	vperm.xlane v1, v59  }
0x22c: {  	s22 =	sadd.s32 $0x1, s22;
	[tilespmem:s0+$0xFFFFFFE0] =	vst @p1 v3;
	v2 =	vsel vm0, v2, v56;
	vm0 =	vmmov @p1 vm1;
	v63 =	vand.u32 $0xF, v58  }
0x22d: {  	p0 =	sne.s32 s22, $0x20;
	s0 =	smov.u32 @p1 s0;
	v3 =	vsel @p1 vm0, v5, v13;
	[tilespmem:s24+$0x0] =	vst v2;
	v2 =	vperm.xlane v0, v62;
	v5 =	vperm.xlane v1, v62  }
.Ltmp25:
0x22e: {  	v61 =	vsel vm13, v7, v60;
	v6 =	vperm.xlane v1, v63;
	[tilespmem:s0+$0xFFFFFFA0] =	vst @p1 v3;
	v3 =	vperm.xlane v0, v63;
	(pc) =	sbr.rel @p0 .LBB2_2-.Ltmp25, $4  }
.Ltmp26:
0x22f: {  	vm15 =	vgt.s32 v58, $0xF;
	[tilespmem:s24+$0xFFFFFFC0] =	vst v61;
	v2 =	vsel vm14, v5, v2;
	(pc) =	sbr.rel @!p0 .LBB2_47-.Ltmp26, $4  }
0x230: {  	[tilespmem:s24+$0xFFFFFFE0] =	vst v2;
	v2 =	vsel vm15, v6, v3  }
0x231: {  	s31 =	sadd.s32 s4, s23;
	[tilespmem:s24+$0xFFFFFFA0] =	vst v2  }
0x232: {  	[hbm4b:s31+s11] =	stream.strided.scatter [tilespmem:s19], [sflag:$0x4], $0x4000, s12, s11, $0x38;
	[tilespmem:$0x10080] =	vst v63  }
0x233: {  	_ = 	snop  }
.LBB2_7:
.Ltmp27:
0x234: {  	(pc) =	sbr.rel .LBB2_14-.Ltmp27, $2  }
0x235: {  	_ =	sdelay $0x2  }
0x236: {  	s29 =	simm.s32 $0x81F0;
	s28 =	simm.s32 $0x1F0;
	p4 =	por $0x0, $0x0;
	v9 =	vmov v8  }
.LBB2_15:
.Ltmp28:
0x237: {  	(pc) =	sbr.rel .LBB2_22-.Ltmp28, $2  }
0x238: {  	_ =	sdelay $0x2  }
0x239: {  	s29 =	simm.s32 $0x8270;
	s28 =	simm.s32 $0x270;
	p2 =	por $0x0, $0x0;
	v9 =	vmov v8  }
.LBB2_31:
.Ltmp29:
0x23a: {  	(pc) =	sbr.rel .LBB2_38-.Ltmp29, $2  }
0x23b: {  	_ =	sdelay $0x2  }
0x23c: {  	s26 =	simm.s32 $0xC1F0;
	s25 =	simm.s32 $0x41F0;
	p3 =	por $0x0, $0x0;
	v9 =	vmov v8  }
.LBB2_39:
.Ltmp30:
0x23d: {  	(pc) =	sbr.rel .LBB2_46-.Ltmp30, $2  }
0x23e: {  	_ =	sdelay $0x2  }
0x23f: {  	s26 =	simm.s32 $0xC270;
	s25 =	simm.s32 $0x4270;
	p1 =	por $0x0, $0x0;
	v9 =	vmov v8  }
.LBB2_9:
.Ltmp31:
0x240: {  	(pc) =	sbr.rel .LBB2_14-.Ltmp31, $3  }
0x241: {  	_ =	sdelay $0x1  }
0x242: {  	s29 =	simm.s32 $0x81F0  }
0x243: {  	s28 =	simm.s32 $0x3F0;
	s1 =	simm.s32 $0x81F0;
	p4 =	por $0x0, $0x0  }
.LBB2_17:
.Ltmp32:
0x244: {  	(pc) =	sbr.rel .LBB2_22-.Ltmp32, $2  }
0x245: {  	_ =	sdelay $0x2  }
0x246: {  	s29 =	simm.s32 $0x8270;
	s28 =	simm.s32 $0x470;
	s1 =	simm.s32 $0x8270  }
.LBB2_33:
.Ltmp33:
0x247: {  	(pc) =	sbr.rel .LBB2_38-.Ltmp33, $3  }
0x248: {  	_ =	sdelay $0x1  }
0x249: {  	s26 =	simm.s32 $0xC1F0  }
0x24a: {  	s25 =	simm.s32 $0x43F0;
	s1 =	simm.s32 $0xC1F0;
	p3 =	por $0x0, $0x0  }
.LBB2_41:
.Ltmp34:
0x24b: {  	(pc) =	sbr.rel .LBB2_46-.Ltmp34, $2  }
0x24c: {  	_ =	sdelay $0x2  }
0x24d: {  	s26 =	simm.s32 $0xC270;
	s25 =	simm.s32 $0x4470;
	s1 =	simm.s32 $0xC270  }
.LBB2_11:
.Ltmp35:
0x24e: {  	(pc) =	sbr.rel .LBB2_14-.Ltmp35, $2  }
0x24f: {  	_ =	sdelay $0x2  }
0x250: {  	v9 =	vmov v8;
	s31 =	simm.s32 $0x81F0;
	s1 =	simm.s32 $0x83F0;
	s0 =	simm.s32 $0x3F0  }
.LBB2_19:
.Ltmp36:
0x251: {  	(pc) =	sbr.rel .LBB2_22-.Ltmp36, $2  }
0x252: {  	_ =	sdelay $0x2  }
0x253: {  	v9 =	vmov v8;
	s31 =	simm.s32 $0x8270;
	s1 =	simm.s32 $0x8470;
	s0 =	simm.s32 $0x470  }
.LBB2_35:
.Ltmp37:
0x254: {  	(pc) =	sbr.rel .LBB2_38-.Ltmp37, $2  }
0x255: {  	_ =	sdelay $0x2  }
0x256: {  	v9 =	vmov v8;
	s29 =	simm.s32 $0xC1F0;
	s1 =	simm.s32 $0xC3F0;
	s0 =	simm.s32 $0x43F0  }
.LBB2_43:
.Ltmp38:
0x257: {  	(pc) =	sbr.rel .LBB2_46-.Ltmp38, $2  }
0x258: {  	_ =	sdelay $0x2  }
0x259: {  	v9 =	vmov v8;
	s29 =	simm.s32 $0xC270;
	s1 =	simm.s32 $0xC470;
	s0 =	simm.s32 $0x4470  }
.LBB2_48:
0x25a: {  	_ =	sfence.sel $0x180000  }
0x25b: {  	[bflag:$0x0] =	sbarrier.arrive $0xFFFF  }
0x25c: {  	_ =	strace $0x90000047  }
0x25d: {  	s0 =	stileid.u32;
	[bflag:$0x2] =	sbarrier.arrive $0xFFFF  }
0x25e: {  	p0 =	sne.s32 s0, $0x0;
	s0 =	rddreg [dreg:$0x3]  }
0x25f: {  	s0 =	sadd.s32 @!p0 $0x100000, s0  }
0x260: {  	[sflag:s0] =	ssyncadd.tile.s32 @!p0 $0x1;
	_ =	shalt  }
.Lfunc_end2:
_tile_overlayer_lowered:
.L_overlay_start_2:
0x261: {  	(tag) =	ssettag $0x2  }
0x262: {  	s0 =	rddreg [dreg:$0x0];
	s2 =	stileid.u32  }
0x263: {  	s1 =	rddreg [dreg:$0x1];
	p0 =	sne.s32 s2, $0x0  }
0x264: {  	s3 =	rddreg [dreg:$0x2];
	[bflag:$0x3] =	sbarrier.arrive $0xFFFF;
	s2 =	simm.s32 @!p0 $0x1C05  }
0x265: {  	[timem:s3], [sflag:s2] =	dma.local @!p0 [hbm:s0], s1  }
0x266: {  	s0 =	simm.s32 @!p0 $0x5  }
0x267: {  	_ =	swait.ge @!p0 [sflag:s0], s1  }
0x268: {  	s1 =	ssub.s32 @!p0 $0x0, s1;
	[sflag:s0] =	ssyncset.done @!p0 $0x0  }
0x269: {  	[sflag:s0] =	ssyncadd.s32 @!p0 s1  }
0x26a: {  	[bflag:$0x3] =	sbarrier.arrive $0xFFFF  }
0x26b: {  	_ =	shalt  }

</sc_bundles>
